<compile_context>
chip_gen: v7x
topology: tpu7x:2x2x1
jax: 0.10.2.dev20260603
libtpu: 0.0.44.dev20260713+nightly
codegen_flags: <defaults>
</compile_context>

<pallas_src>
import functools

import jax
import jax.numpy as jnp
from jax import lax
from jax.experimental import pallas as pl
from jax.experimental.pallas import tpu as pltpu
from jax.experimental.pallas import tpu_sc as plsc

_N = 6_400_000
_S = 4096
_L = 16
_NC = 2
_NS = 16
_NW = _NC * _NS
_RPW = _N // _NW
_CHUNK = 10000
_NCHUNK = _RPW // _CHUNK
_NBUF = 2
_UNROLL = 25
_CONST = 1.0

_mesh = plsc.VectorSubcoreMesh(core_axis_name="c", subcore_axis_name="s")


_ROWS = 512
_COLS = 128


@functools.partial(
    pl.kernel,
    out_type=jax.ShapeDtypeStruct((_NC, _S * _L), jnp.float32),
    mesh=_mesh,
    scratch_types=[
        pltpu.VMEM((_CHUNK,), jnp.float32),
        pltpu.VMEM((_CHUNK,), jnp.float32),
        pltpu.VMEM((_CHUNK,), jnp.int32),
        pltpu.VMEM((_CHUNK,), jnp.int32),
        pltpu.VMEM((_ROWS, _COLS), jnp.float32),
        pltpu.VMEM((4, _COLS), jnp.int32),
        pltpu.VMEM_SHARED((_ROWS, _COLS), jnp.float32),
        pltpu.SemaphoreType.DMA,
        pltpu.SemaphoreType.DMA,
    ],
    compiler_params=pltpu.CompilerParams(needs_layout_passes=False),
)
def _seg_partial(x_hbm, b_hbm, part_hbm, xb0, xb1, bb0, bb1, acc, idxb,
                 shared, sem0, sem1):
    c = lax.axis_index("c")
    s = lax.axis_index("s")
    base = (c * _NS + s) * _RPW
    xbufs = [xb0, xb1]
    bbufs = [bb0, bb1]
    sems = [sem0, sem1]

    zeros = jnp.zeros((_L,), jnp.float32)
    lane = lax.iota(jnp.int32, _L)

    @plsc.parallel_loop(0, _ROWS, step=1, unroll=4)
    def _(i):
        for u in range(_COLS // _L):
            acc[i, pl.ds(u * _L, _L)] = zeros

    for q in range(4):
        for u in range(_COLS // _L):
            idxb[q, pl.ds(u * _L, _L)] = lane + (q * _COLS + u * _L)

    @pl.when(s == 0)
    def _():
        pltpu.sync_copy(acc, shared)

    plsc.subcore_barrier()

    def start(j, b):
        off = base + j * _CHUNK
        pltpu.async_copy(x_hbm.at[pl.ds(off, _CHUNK)], xbufs[b], sems[b])
        pltpu.async_copy(b_hbm.at[pl.ds(off, _CHUNK)], bbufs[b], sems[b])

    def wait(j, b):
        off = base + j * _CHUNK
        pltpu.make_async_copy(x_hbm.at[pl.ds(off, _CHUNK)], xbufs[b], sems[b]).wait()
        pltpu.make_async_copy(b_hbm.at[pl.ds(off, _CHUNK)], bbufs[b], sems[b]).wait()

    def compute(b):
        xrow = xbufs[b]
        brow = bbufs[b]
        nv = _CHUNK // _L

        @plsc.parallel_loop(0, nv, step=1, unroll=8)
        def _(k):
            o = k * _L
            v = xrow[pl.ds(o, _L)]
            ids = brow[pl.ds(o, _L)]
            row = lax.shift_right_logical(ids, 3)
            col = lax.shift_left(jnp.bitwise_and(ids, 7), 4) + lane
            plsc.addupdate_scatter(acc, [row, col], v)

    for b in range(_NBUF):
        start(b, b)

    def outer(t, carry):
        j0 = t * _NBUF
        for b in range(_NBUF):
            j = j0 + b
            wait(j, b)
            compute(b)

            @pl.when(j + _NBUF < _NCHUNK)
            def _():
                start(j + _NBUF, b)

        return carry

    lax.fori_loop(0, _NCHUNK // _NBUF, outer, 0)

    for q in range(4):
        pltpu.sync_copy(acc.at[pl.ds(q * _COLS, _COLS)],
                        shared.at[idxb.at[q]], add=True)
    plsc.subcore_barrier()

    rows_per_tile = _ROWS // _NS
    for r in range(rows_per_tile):
        row = s * rows_per_tile + r
        pltpu.async_copy(shared.at[row],
                         part_hbm.at[c].at[pl.ds(row * _COLS, _COLS)], sem0)
    for r in range(rows_per_tile):
        row = s * rows_per_tile + r
        pltpu.make_async_copy(shared.at[row],
                              part_hbm.at[c].at[pl.ds(row * _COLS, _COLS)],
                              sem0).wait()


def _fold_body(p_ref, o_ref):
    blk = o_ref.shape[0]
    p = p_ref[...]
    o_ref[...] = jnp.sum(p.reshape(_NC, blk, _L), axis=(0, 2)) * _CONST


def _fold(part):
    blk = _S // 8
    return pl.pallas_call(
        _fold_body,
        grid=(8,),
        in_specs=[pl.BlockSpec((_NC, blk * _L), lambda g: (0, g))],
        out_specs=pl.BlockSpec((blk,), lambda g: (g,)),
        out_shape=jax.ShapeDtypeStruct((_S,), jnp.float32),
    )(part)


def kernel(x, batch):
    xf = x.reshape(-1)
    part = _seg_partial(xf, batch)
    return _fold(part)

# --- scband reference (transcript-rebuilt; emitter-appended) ---
"""Pipeline reference for scband-atom-reduce-35227321762133 (READ-ONLY COPY).

The authoritative reference and input builder live on the scoring server;
editing this copy changes nothing except your own understanding.
"""

import jax, jax.numpy as jnp
import numpy as np

N = 6_400_000
NUM_SEGMENTS = 4096
CONSTANT = 1.0


def setup_inputs(seed: int = 0) -> dict:
    key = jax.random.key(seed)
    k1, k2 = jax.random.split(key)
    x = jax.random.normal(k1, (N, 1), dtype=jnp.float32)
    batch = jnp.sort(jax.random.randint(k2, (N,), 0, NUM_SEGMENTS, dtype=jnp.int32))
    return {"x": x, "batch": batch}


def reference(x, batch):
    # AtomReduce forward (batch-data path):
    #   out = scatter(x, batch, dim=0, reduce='sum') * constant; out = out.squeeze(1)
    seg = jax.ops.segment_sum(x, batch, num_segments=NUM_SEGMENTS)
    out = seg * CONSTANT
    out = jnp.squeeze(out, axis=1)
    return out

if __name__ == "__main__":
    import jax
    _d = setup_inputs()
    print(jax.jit(kernel)(*tuple(_d.values())))

</pallas_src>

<mosaic_0001>
#map = affine_map<(d0, d1) -> (0)>
#map1 = affine_map<(d0, d1) -> (0, 0)>
module attributes {stable_mosaic.version = 14 : i64} {
  func.func @_seg_partial(%arg0: i32, %arg1: i32, %arg2: memref<6400000xf32, #tpu.memory_space<hbm>>, %arg3: memref<6400000xi32, #tpu.memory_space<hbm>>, %arg4: memref<2x65536xf32, #tpu.memory_space<hbm>>, %arg5: memref<10000xf32, #tpu.memory_space<vmem>>, %arg6: memref<10000xf32, #tpu.memory_space<vmem>>, %arg7: memref<10000xi32, #tpu.memory_space<vmem>>, %arg8: memref<10000xi32, #tpu.memory_space<vmem>>, %arg9: memref<512x128xf32, #tpu.memory_space<vmem>>, %arg10: memref<4x128xi32, #tpu.memory_space<vmem>>, %arg11: memref<512x128xf32, #tpu.memory_space<vmem_shared>>, %arg12: memref<!tpu.dma_semaphore, #tpu.memory_space<semaphore_mem>>, %arg13: memref<!tpu.dma_semaphore, #tpu.memory_space<semaphore_mem>>) attributes {dimension_semantics = [#tpu.dimension_semantics<core_parallel>, #tpu.dimension_semantics<subcore_parallel>], iteration_bounds = array<i64: 2, 16>, scalar_prefetch = 0 : i64, scratch_operands = 9 : i64, tpu.core_type = #tpu.core_type<sc_vector_subcore>, window_params = [{transform_indices = #map}, {transform_indices = #map}, {transform_indices = #map1}]} {
    %mul3A = arith.constant 16 : i32
    %mul3A_0 = arith.muli %arg0, %mul3A : i32
    %add3A = arith.addi %mul3A_0, %arg1 : i32
    %mul3A_1 = arith.constant 200000 : i32
    %mul3A_2 = arith.muli %add3A, %mul3A_1 : i32
    %broadcast_in_dim3A = arith.constant 0.000000e+00 : f32
    %broadcast_in_dim3A_3 = vector.broadcast %broadcast_in_dim3A : f32 to vector<16xf32>
    %iota3A = tpu.iota {dimensions = array<i32: 0>} : vector<16xi32>
    %parallel_loop3A = arith.constant 0 : i32
    %parallel_loop3A_4 = arith.constant 512 : i32
    %parallel_loop3A_5 = arith.constant 1 : i32
    scf.for %parallel_loop3A_1082 = %parallel_loop3A to %parallel_loop3A_4 step %parallel_loop3A_5  : i32 {
      %parallel_loop3A_1083 = arith.index_cast %parallel_loop3A_1082 : i32 to index
      %parallel_loop3A_1084 = arith.constant 0 : index
      %parallel_loop3A_1085 = tpu.vector_load %arg9[%parallel_loop3A_1083, %parallel_loop3A_1084] {strides = array<i32>} : memref<512x128xf32, #tpu.memory_space<vmem>>, vector<16xf32>,
      tpu.vector_store %arg9[%parallel_loop3A_1083, %parallel_loop3A_1084], %broadcast_in_dim3A_3 {strides = array<i32>} : memref<512x128xf32, #tpu.memory_space<vmem>>, vector<16xf32>,
      %parallel_loop3A_1086 = arith.index_cast %parallel_loop3A_1082 : i32 to index
      %parallel_loop3A_1087 = arith.constant 16 : index
      %parallel_loop3A_1088 = tpu.vector_load %arg9[%parallel_loop3A_1086, %parallel_loop3A_1087] {strides = array<i32>} : memref<512x128xf32, #tpu.memory_space<vmem>>, vector<16xf32>,
      tpu.vector_store %arg9[%parallel_loop3A_1086, %parallel_loop3A_1087], %broadcast_in_dim3A_3 {strides = array<i32>} : memref<512x128xf32, #tpu.memory_space<vmem>>, vector<16xf32>,
      %parallel_loop3A_1089 = arith.index_cast %parallel_loop3A_1082 : i32 to index
      %parallel_loop3A_1090 = arith.constant 32 : index
      %parallel_loop3A_1091 = tpu.vector_load %arg9[%parallel_loop3A_1089, %parallel_loop3A_1090] {strides = array<i32>} : memref<512x128xf32, #tpu.memory_space<vmem>>, vector<16xf32>,
      tpu.vector_store %arg9[%parallel_loop3A_1089, %parallel_loop3A_1090], %broadcast_in_dim3A_3 {strides = array<i32>} : memref<512x128xf32, #tpu.memory_space<vmem>>, vector<16xf32>,
      %parallel_loop3A_1092 = arith.index_cast %parallel_loop3A_1082 : i32 to index
      %parallel_loop3A_1093 = arith.constant 48 : index
      %parallel_loop3A_1094 = tpu.vector_load %arg9[%parallel_loop3A_1092, %parallel_loop3A_1093] {strides = array<i32>} : memref<512x128xf32, #tpu.memory_space<vmem>>, vector<16xf32>,
      tpu.vector_store %arg9[%parallel_loop3A_1092, %parallel_loop3A_1093], %broadcast_in_dim3A_3 {strides = array<i32>} : memref<512x128xf32, #tpu.memory_space<vmem>>, vector<16xf32>,
      %parallel_loop3A_1095 = arith.index_cast %parallel_loop3A_1082 : i32 to index
      %parallel_loop3A_1096 = arith.constant 64 : index
      %parallel_loop3A_1097 = tpu.vector_load %arg9[%parallel_loop3A_1095, %parallel_loop3A_1096] {strides = array<i32>} : memref<512x128xf32, #tpu.memory_space<vmem>>, vector<16xf32>,
      tpu.vector_store %arg9[%parallel_loop3A_1095, %parallel_loop3A_1096], %broadcast_in_dim3A_3 {strides = array<i32>} : memref<512x128xf32, #tpu.memory_space<vmem>>, vector<16xf32>,
      %parallel_loop3A_1098 = arith.index_cast %parallel_loop3A_1082 : i32 to index
      %parallel_loop3A_1099 = arith.constant 80 : index
      %parallel_loop3A_1100 = tpu.vector_load %arg9[%parallel_loop3A_1098, %parallel_loop3A_1099] {strides = array<i32>} : memref<512x128xf32, #tpu.memory_space<vmem>>, vector<16xf32>,
      tpu.vector_store %arg9[%parallel_loop3A_1098, %parallel_loop3A_1099], %broadcast_in_dim3A_3 {strides = array<i32>} : memref<512x128xf32, #tpu.memory_space<vmem>>, vector<16xf32>,
      %parallel_loop3A_1101 = arith.index_cast %parallel_loop3A_1082 : i32 to index
      %parallel_loop3A_1102 = arith.constant 96 : index
      %parallel_loop3A_1103 = tpu.vector_load %arg9[%parallel_loop3A_1101, %parallel_loop3A_1102] {strides = array<i32>} : memref<512x128xf32, #tpu.memory_space<vmem>>, vector<16xf32>,
      tpu.vector_store %arg9[%parallel_loop3A_1101, %parallel_loop3A_1102], %broadcast_in_dim3A_3 {strides = array<i32>} : memref<512x128xf32, #tpu.memory_space<vmem>>, vector<16xf32>,
      %parallel_loop3A_1104 = arith.index_cast %parallel_loop3A_1082 : i32 to index
      %parallel_loop3A_1105 = arith.constant 112 : index
      %parallel_loop3A_1106 = tpu.vector_load %arg9[%parallel_loop3A_1104, %parallel_loop3A_1105] {strides = array<i32>} : memref<512x128xf32, #tpu.memory_space<vmem>>, vector<16xf32>,
      tpu.vector_store %arg9[%parallel_loop3A_1104, %parallel_loop3A_1105], %broadcast_in_dim3A_3 {strides = array<i32>} : memref<512x128xf32, #tpu.memory_space<vmem>>, vector<16xf32>,
    } {sc.loop_unroll_factor = 4 : i64, sc.parallel_access}
    %add3A_6 = arith.constant 0 : i32
    %add3A_7 = vector.broadcast %add3A_6 : i32 to vector<16xi32>
    %add3A_8 = arith.addi %iota3A, %add3A_7 : vector<16xi32>
    %swap3A = arith.constant 0 : i32
    %swap3A_9 = arith.index_cast %swap3A : i32 to index
    %swap3A_10 = arith.constant 0 : index
    %swap3A_11 = tpu.vector_load %arg10[%swap3A_9, %swap3A_10] {strides = array<i32>} : memref<4x128xi32, #tpu.memory_space<vmem>>, vector<16xi32>,
    tpu.vector_store %arg10[%swap3A_9, %swap3A_10], %add3A_8 {strides = array<i32>} : memref<4x128xi32, #tpu.memory_space<vmem>>, vector<16xi32>,
    %add3A_12 = arith.constant 16 : i32
    %add3A_13 = vector.broadcast %add3A_12 : i32 to vector<16xi32>
    %add3A_14 = arith.addi %iota3A, %add3A_13 : vector<16xi32>
    %swap3A_15 = arith.constant 0 : i32
    %swap3A_16 = arith.index_cast %swap3A_15 : i32 to index
    %swap3A_17 = arith.constant 16 : index
    %swap3A_18 = tpu.vector_load %arg10[%swap3A_16, %swap3A_17] {strides = array<i32>} : memref<4x128xi32, #tpu.memory_space<vmem>>, vector<16xi32>,
    tpu.vector_store %arg10[%swap3A_16, %swap3A_17], %add3A_14 {strides = array<i32>} : memref<4x128xi32, #tpu.memory_space<vmem>>, vector<16xi32>,
    %add3A_19 = arith.constant 32 : i32
    %add3A_20 = vector.broadcast %add3A_19 : i32 to vector<16xi32>
    %add3A_21 = arith.addi %iota3A, %add3A_20 : vector<16xi32>
    %swap3A_22 = arith.constant 0 : i32
    %swap3A_23 = arith.index_cast %swap3A_22 : i32 to index
    %swap3A_24 = arith.constant 32 : index
    %swap3A_25 = tpu.vector_load %arg10[%swap3A_23, %swap3A_24] {strides = array<i32>} : memref<4x128xi32, #tpu.memory_space<vmem>>, vector<16xi32>,
    tpu.vector_store %arg10[%swap3A_23, %swap3A_24], %add3A_21 {strides = array<i32>} : memref<4x128xi32, #tpu.memory_space<vmem>>, vector<16xi32>,
    %add3A_26 = arith.constant 48 : i32
    %add3A_27 = vector.broadcast %add3A_26 : i32 to vector<16xi32>
    %add3A_28 = arith.addi %iota3A, %add3A_27 : vector<16xi32>
    %swap3A_29 = arith.constant 0 : i32
    %swap3A_30 = arith.index_cast %swap3A_29 : i32 to index
    %swap3A_31 = arith.constant 48 : index
    %swap3A_32 = tpu.vector_load %arg10[%swap3A_30, %swap3A_31] {strides = array<i32>} : memref<4x128xi32, #tpu.memory_space<vmem>>, vector<16xi32>,
    tpu.vector_store %arg10[%swap3A_30, %swap3A_31], %add3A_28 {strides = array<i32>} : memref<4x128xi32, #tpu.memory_space<vmem>>, vector<16xi32>,
    %add3A_33 = arith.constant 64 : i32
    %add3A_34 = vector.broadcast %add3A_33 : i32 to vector<16xi32>
    %add3A_35 = arith.addi %iota3A, %add3A_34 : vector<16xi32>
    %swap3A_36 = arith.constant 0 : i32
    %swap3A_37 = arith.index_cast %swap3A_36 : i32 to index
    %swap3A_38 = arith.constant 64 : index
    %swap3A_39 = tpu.vector_load %arg10[%swap3A_37, %swap3A_38] {strides = array<i32>} : memref<4x128xi32, #tpu.memory_space<vmem>>, vector<16xi32>,
    tpu.vector_store %arg10[%swap3A_37, %swap3A_38], %add3A_35 {strides = array<i32>} : memref<4x128xi32, #tpu.memory_space<vmem>>, vector<16xi32>,
    %add3A_40 = arith.constant 80 : i32
    %add3A_41 = vector.broadcast %add3A_40 : i32 to vector<16xi32>
    %add3A_42 = arith.addi %iota3A, %add3A_41 : vector<16xi32>
    %swap3A_43 = arith.constant 0 : i32
    %swap3A_44 = arith.index_cast %swap3A_43 : i32 to index
    %swap3A_45 = arith.constant 80 : index
    %swap3A_46 = tpu.vector_load %arg10[%swap3A_44, %swap3A_45] {strides = array<i32>} : memref<4x128xi32, #tpu.memory_space<vmem>>, vector<16xi32>,
    tpu.vector_store %arg10[%swap3A_44, %swap3A_45], %add3A_42 {strides = array<i32>} : memref<4x128xi32, #tpu.memory_space<vmem>>, vector<16xi32>,
    %add3A_47 = arith.constant 96 : i32
    %add3A_48 = vector.broadcast %add3A_47 : i32 to vector<16xi32>
    %add3A_49 = arith.addi %iota3A, %add3A_48 : vector<16xi32>
    %swap3A_50 = arith.constant 0 : i32
    %swap3A_51 = arith.index_cast %swap3A_50 : i32 to index
    %swap3A_52 = arith.constant 96 : index
    %swap3A_53 = tpu.vector_load %arg10[%swap3A_51, %swap3A_52] {strides = array<i32>} : memref<4x128xi32, #tpu.memory_space<vmem>>, vector<16xi32>,
    tpu.vector_store %arg10[%swap3A_51, %swap3A_52], %add3A_49 {strides = array<i32>} : memref<4x128xi32, #tpu.memory_space<vmem>>, vector<16xi32>,
    %add3A_54 = arith.constant 112 : i32
    %add3A_55 = vector.broadcast %add3A_54 : i32 to vector<16xi32>
    %add3A_56 = arith.addi %iota3A, %add3A_55 : vector<16xi32>
    %swap3A_57 = arith.constant 0 : i32
    %swap3A_58 = arith.index_cast %swap3A_57 : i32 to index
    %swap3A_59 = arith.constant 112 : index
    %swap3A_60 = tpu.vector_load %arg10[%swap3A_58, %swap3A_59] {strides = array<i32>} : memref<4x128xi32, #tpu.memory_space<vmem>>, vector<16xi32>,
    tpu.vector_store %arg10[%swap3A_58, %swap3A_59], %add3A_56 {strides = array<i32>} : memref<4x128xi32, #tpu.memory_space<vmem>>, vector<16xi32>,
    %add3A_61 = arith.constant 128 : i32
    %add3A_62 = vector.broadcast %add3A_61 : i32 to vector<16xi32>
    %add3A_63 = arith.addi %iota3A, %add3A_62 : vector<16xi32>
    %swap3A_64 = arith.constant 1 : i32
    %swap3A_65 = arith.index_cast %swap3A_64 : i32 to index
    %swap3A_66 = arith.constant 0 : index
    %swap3A_67 = tpu.vector_load %arg10[%swap3A_65, %swap3A_66] {strides = array<i32>} : memref<4x128xi32, #tpu.memory_space<vmem>>, vector<16xi32>,
    tpu.vector_store %arg10[%swap3A_65, %swap3A_66], %add3A_63 {strides = array<i32>} : memref<4x128xi32, #tpu.memory_space<vmem>>, vector<16xi32>,
    %add3A_68 = arith.constant 144 : i32
    %add3A_69 = vector.broadcast %add3A_68 : i32 to vector<16xi32>
    %add3A_70 = arith.addi %iota3A, %add3A_69 : vector<16xi32>
    %swap3A_71 = arith.constant 1 : i32
    %swap3A_72 = arith.index_cast %swap3A_71 : i32 to index
    %swap3A_73 = arith.constant 16 : index
    %swap3A_74 = tpu.vector_load %arg10[%swap3A_72, %swap3A_73] {strides = array<i32>} : memref<4x128xi32, #tpu.memory_space<vmem>>, vector<16xi32>,
    tpu.vector_store %arg10[%swap3A_72, %swap3A_73], %add3A_70 {strides = array<i32>} : memref<4x128xi32, #tpu.memory_space<vmem>>, vector<16xi32>,
    %add3A_75 = arith.constant 160 : i32
    %add3A_76 = vector.broadcast %add3A_75 : i32 to vector<16xi32>
    %add3A_77 = arith.addi %iota3A, %add3A_76 : vector<16xi32>
    %swap3A_78 = arith.constant 1 : i32
    %swap3A_79 = arith.index_cast %swap3A_78 : i32 to index
    %swap3A_80 = arith.constant 32 : index
    %swap3A_81 = tpu.vector_load %arg10[%swap3A_79, %swap3A_80] {strides = array<i32>} : memref<4x128xi32, #tpu.memory_space<vmem>>, vector<16xi32>,
    tpu.vector_store %arg10[%swap3A_79, %swap3A_80], %add3A_77 {strides = array<i32>} : memref<4x128xi32, #tpu.memory_space<vmem>>, vector<16xi32>,
    %add3A_82 = arith.constant 176 : i32
    %add3A_83 = vector.broadcast %add3A_82 : i32 to vector<16xi32>
    %add3A_84 = arith.addi %iota3A, %add3A_83 : vector<16xi32>
    %swap3A_85 = arith.constant 1 : i32
    %swap3A_86 = arith.index_cast %swap3A_85 : i32 to index
    %swap3A_87 = arith.constant 48 : index
    %swap3A_88 = tpu.vector_load %arg10[%swap3A_86, %swap3A_87] {strides = array<i32>} : memref<4x128xi32, #tpu.memory_space<vmem>>, vector<16xi32>,
    tpu.vector_store %arg10[%swap3A_86, %swap3A_87], %add3A_84 {strides = array<i32>} : memref<4x128xi32, #tpu.memory_space<vmem>>, vector<16xi32>,
    %add3A_89 = arith.constant 192 : i32
    %add3A_90 = vector.broadcast %add3A_89 : i32 to vector<16xi32>
    %add3A_91 = arith.addi %iota3A, %add3A_90 : vector<16xi32>
    %swap3A_92 = arith.constant 1 : i32
    %swap3A_93 = arith.index_cast %swap3A_92 : i32 to index
    %swap3A_94 = arith.constant 64 : index
    %swap3A_95 = tpu.vector_load %arg10[%swap3A_93, %swap3A_94] {strides = array<i32>} : memref<4x128xi32, #tpu.memory_space<vmem>>, vector<16xi32>,
    tpu.vector_store %arg10[%swap3A_93, %swap3A_94], %add3A_91 {strides = array<i32>} : memref<4x128xi32, #tpu.memory_space<vmem>>, vector<16xi32>,
    %add3A_96 = arith.constant 208 : i32
    %add3A_97 = vector.broadcast %add3A_96 : i32 to vector<16xi32>
    %add3A_98 = arith.addi %iota3A, %add3A_97 : vector<16xi32>
    %swap3A_99 = arith.constant 1 : i32
    %swap3A_100 = arith.index_cast %swap3A_99 : i32 to index
    %swap3A_101 = arith.constant 80 : index
    %swap3A_102 = tpu.vector_load %arg10[%swap3A_100, %swap3A_101] {strides = array<i32>} : memref<4x128xi32, #tpu.memory_space<vmem>>, vector<16xi32>,
    tpu.vector_store %arg10[%swap3A_100, %swap3A_101], %add3A_98 {strides = array<i32>} : memref<4x128xi32, #tpu.memory_space<vmem>>, vector<16xi32>,
    %add3A_103 = arith.constant 224 : i32
    %add3A_104 = vector.broadcast %add3A_103 : i32 to vector<16xi32>
    %add3A_105 = arith.addi %iota3A, %add3A_104 : vector<16xi32>
    %swap3A_106 = arith.constant 1 : i32
    %swap3A_107 = arith.index_cast %swap3A_106 : i32 to index
    %swap3A_108 = arith.constant 96 : index
    %swap3A_109 = tpu.vector_load %arg10[%swap3A_107, %swap3A_108] {strides = array<i32>} : memref<4x128xi32, #tpu.memory_space<vmem>>, vector<16xi32>,
    tpu.vector_store %arg10[%swap3A_107, %swap3A_108], %add3A_105 {strides = array<i32>} : memref<4x128xi32, #tpu.memory_space<vmem>>, vector<16xi32>,
    %add3A_110 = arith.constant 240 : i32
    %add3A_111 = vector.broadcast %add3A_110 : i32 to vector<16xi32>
    %add3A_112 = arith.addi %iota3A, %add3A_111 : vector<16xi32>
    %swap3A_113 = arith.constant 1 : i32
    %swap3A_114 = arith.index_cast %swap3A_113 : i32 to index
    %swap3A_115 = arith.constant 112 : index
    %swap3A_116 = tpu.vector_load %arg10[%swap3A_114, %swap3A_115] {strides = array<i32>} : memref<4x128xi32, #tpu.memory_space<vmem>>, vector<16xi32>,
    tpu.vector_store %arg10[%swap3A_114, %swap3A_115], %add3A_112 {strides = array<i32>} : memref<4x128xi32, #tpu.memory_space<vmem>>, vector<16xi32>,
    %add3A_117 = arith.constant 256 : i32
    %add3A_118 = vector.broadcast %add3A_117 : i32 to vector<16xi32>
    %add3A_119 = arith.addi %iota3A, %add3A_118 : vector<16xi32>
    %swap3A_120 = arith.constant 2 : i32
    %swap3A_121 = arith.index_cast %swap3A_120 : i32 to index
    %swap3A_122 = arith.constant 0 : index
    %swap3A_123 = tpu.vector_load %arg10[%swap3A_121, %swap3A_122] {strides = array<i32>} : memref<4x128xi32, #tpu.memory_space<vmem>>, vector<16xi32>,
    tpu.vector_store %arg10[%swap3A_121, %swap3A_122], %add3A_119 {strides = array<i32>} : memref<4x128xi32, #tpu.memory_space<vmem>>, vector<16xi32>,
    %add3A_124 = arith.constant 272 : i32
    %add3A_125 = vector.broadcast %add3A_124 : i32 to vector<16xi32>
    %add3A_126 = arith.addi %iota3A, %add3A_125 : vector<16xi32>
    %swap3A_127 = arith.constant 2 : i32
    %swap3A_128 = arith.index_cast %swap3A_127 : i32 to index
    %swap3A_129 = arith.constant 16 : index
    %swap3A_130 = tpu.vector_load %arg10[%swap3A_128, %swap3A_129] {strides = array<i32>} : memref<4x128xi32, #tpu.memory_space<vmem>>, vector<16xi32>,
    tpu.vector_store %arg10[%swap3A_128, %swap3A_129], %add3A_126 {strides = array<i32>} : memref<4x128xi32, #tpu.memory_space<vmem>>, vector<16xi32>,
    %add3A_131 = arith.constant 288 : i32
    %add3A_132 = vector.broadcast %add3A_131 : i32 to vector<16xi32>
    %add3A_133 = arith.addi %iota3A, %add3A_132 : vector<16xi32>
    %swap3A_134 = arith.constant 2 : i32
    %swap3A_135 = arith.index_cast %swap3A_134 : i32 to index
    %swap3A_136 = arith.constant 32 : index
    %swap3A_137 = tpu.vector_load %arg10[%swap3A_135, %swap3A_136] {strides = array<i32>} : memref<4x128xi32, #tpu.memory_space<vmem>>, vector<16xi32>,
    tpu.vector_store %arg10[%swap3A_135, %swap3A_136], %add3A_133 {strides = array<i32>} : memref<4x128xi32, #tpu.memory_space<vmem>>, vector<16xi32>,
    %add3A_138 = arith.constant 304 : i32
    %add3A_139 = vector.broadcast %add3A_138 : i32 to vector<16xi32>
    %add3A_140 = arith.addi %iota3A, %add3A_139 : vector<16xi32>
    %swap3A_141 = arith.constant 2 : i32
    %swap3A_142 = arith.index_cast %swap3A_141 : i32 to index
    %swap3A_143 = arith.constant 48 : index
    %swap3A_144 = tpu.vector_load %arg10[%swap3A_142, %swap3A_143] {strides = array<i32>} : memref<4x128xi32, #tpu.memory_space<vmem>>, vector<16xi32>,
    tpu.vector_store %arg10[%swap3A_142, %swap3A_143], %add3A_140 {strides = array<i32>} : memref<4x128xi32, #tpu.memory_space<vmem>>, vector<16xi32>,
    %add3A_145 = arith.constant 320 : i32
    %add3A_146 = vector.broadcast %add3A_145 : i32 to vector<16xi32>
    %add3A_147 = arith.addi %iota3A, %add3A_146 : vector<16xi32>
    %swap3A_148 = arith.constant 2 : i32
    %swap3A_149 = arith.index_cast %swap3A_148 : i32 to index
    %swap3A_150 = arith.constant 64 : index
    %swap3A_151 = tpu.vector_load %arg10[%swap3A_149, %swap3A_150] {strides = array<i32>} : memref<4x128xi32, #tpu.memory_space<vmem>>, vector<16xi32>,
    tpu.vector_store %arg10[%swap3A_149, %swap3A_150], %add3A_147 {strides = array<i32>} : memref<4x128xi32, #tpu.memory_space<vmem>>, vector<16xi32>,
    %add3A_152 = arith.constant 336 : i32
    %add3A_153 = vector.broadcast %add3A_152 : i32 to vector<16xi32>
    %add3A_154 = arith.addi %iota3A, %add3A_153 : vector<16xi32>
    %swap3A_155 = arith.constant 2 : i32
    %swap3A_156 = arith.index_cast %swap3A_155 : i32 to index
    %swap3A_157 = arith.constant 80 : index
    %swap3A_158 = tpu.vector_load %arg10[%swap3A_156, %swap3A_157] {strides = array<i32>} : memref<4x128xi32, #tpu.memory_space<vmem>>, vector<16xi32>,
    tpu.vector_store %arg10[%swap3A_156, %swap3A_157], %add3A_154 {strides = array<i32>} : memref<4x128xi32, #tpu.memory_space<vmem>>, vector<16xi32>,
    %add3A_159 = arith.constant 352 : i32
    %add3A_160 = vector.broadcast %add3A_159 : i32 to vector<16xi32>
    %add3A_161 = arith.addi %iota3A, %add3A_160 : vector<16xi32>
    %swap3A_162 = arith.constant 2 : i32
    %swap3A_163 = arith.index_cast %swap3A_162 : i32 to index
    %swap3A_164 = arith.constant 96 : index
    %swap3A_165 = tpu.vector_load %arg10[%swap3A_163, %swap3A_164] {strides = array<i32>} : memref<4x128xi32, #tpu.memory_space<vmem>>, vector<16xi32>,
    tpu.vector_store %arg10[%swap3A_163, %swap3A_164], %add3A_161 {strides = array<i32>} : memref<4x128xi32, #tpu.memory_space<vmem>>, vector<16xi32>,
    %add3A_166 = arith.constant 368 : i32
    %add3A_167 = vector.broadcast %add3A_166 : i32 to vector<16xi32>
    %add3A_168 = arith.addi %iota3A, %add3A_167 : vector<16xi32>
    %swap3A_169 = arith.constant 2 : i32
    %swap3A_170 = arith.index_cast %swap3A_169 : i32 to index
    %swap3A_171 = arith.constant 112 : index
    %swap3A_172 = tpu.vector_load %arg10[%swap3A_170, %swap3A_171] {strides = array<i32>} : memref<4x128xi32, #tpu.memory_space<vmem>>, vector<16xi32>,
    tpu.vector_store %arg10[%swap3A_170, %swap3A_171], %add3A_168 {strides = array<i32>} : memref<4x128xi32, #tpu.memory_space<vmem>>, vector<16xi32>,
    %add3A_173 = arith.constant 384 : i32
    %add3A_174 = vector.broadcast %add3A_173 : i32 to vector<16xi32>
    %add3A_175 = arith.addi %iota3A, %add3A_174 : vector<16xi32>
    %swap3A_176 = arith.constant 3 : i32
    %swap3A_177 = arith.index_cast %swap3A_176 : i32 to index
    %swap3A_178 = arith.constant 0 : index
    %swap3A_179 = tpu.vector_load %arg10[%swap3A_177, %swap3A_178] {strides = array<i32>} : memref<4x128xi32, #tpu.memory_space<vmem>>, vector<16xi32>,
    tpu.vector_store %arg10[%swap3A_177, %swap3A_178], %add3A_175 {strides = array<i32>} : memref<4x128xi32, #tpu.memory_space<vmem>>, vector<16xi32>,
    %add3A_180 = arith.constant 400 : i32
    %add3A_181 = vector.broadcast %add3A_180 : i32 to vector<16xi32>
    %add3A_182 = arith.addi %iota3A, %add3A_181 : vector<16xi32>
    %swap3A_183 = arith.constant 3 : i32
    %swap3A_184 = arith.index_cast %swap3A_183 : i32 to index
    %swap3A_185 = arith.constant 16 : index
    %swap3A_186 = tpu.vector_load %arg10[%swap3A_184, %swap3A_185] {strides = array<i32>} : memref<4x128xi32, #tpu.memory_space<vmem>>, vector<16xi32>,
    tpu.vector_store %arg10[%swap3A_184, %swap3A_185], %add3A_182 {strides = array<i32>} : memref<4x128xi32, #tpu.memory_space<vmem>>, vector<16xi32>,
    %add3A_187 = arith.constant 416 : i32
    %add3A_188 = vector.broadcast %add3A_187 : i32 to vector<16xi32>
    %add3A_189 = arith.addi %iota3A, %add3A_188 : vector<16xi32>
    %swap3A_190 = arith.constant 3 : i32
    %swap3A_191 = arith.index_cast %swap3A_190 : i32 to index
    %swap3A_192 = arith.constant 32 : index
    %swap3A_193 = tpu.vector_load %arg10[%swap3A_191, %swap3A_192] {strides = array<i32>} : memref<4x128xi32, #tpu.memory_space<vmem>>, vector<16xi32>,
    tpu.vector_store %arg10[%swap3A_191, %swap3A_192], %add3A_189 {strides = array<i32>} : memref<4x128xi32, #tpu.memory_space<vmem>>, vector<16xi32>,
    %add3A_194 = arith.constant 432 : i32
    %add3A_195 = vector.broadcast %add3A_194 : i32 to vector<16xi32>
    %add3A_196 = arith.addi %iota3A, %add3A_195 : vector<16xi32>
    %swap3A_197 = arith.constant 3 : i32
    %swap3A_198 = arith.index_cast %swap3A_197 : i32 to index
    %swap3A_199 = arith.constant 48 : index
    %swap3A_200 = tpu.vector_load %arg10[%swap3A_198, %swap3A_199] {strides = array<i32>} : memref<4x128xi32, #tpu.memory_space<vmem>>, vector<16xi32>,
    tpu.vector_store %arg10[%swap3A_198, %swap3A_199], %add3A_196 {strides = array<i32>} : memref<4x128xi32, #tpu.memory_space<vmem>>, vector<16xi32>,
    %add3A_201 = arith.constant 448 : i32
    %add3A_202 = vector.broadcast %add3A_201 : i32 to vector<16xi32>
    %add3A_203 = arith.addi %iota3A, %add3A_202 : vector<16xi32>
    %swap3A_204 = arith.constant 3 : i32
    %swap3A_205 = arith.index_cast %swap3A_204 : i32 to index
    %swap3A_206 = arith.constant 64 : index
    %swap3A_207 = tpu.vector_load %arg10[%swap3A_205, %swap3A_206] {strides = array<i32>} : memref<4x128xi32, #tpu.memory_space<vmem>>, vector<16xi32>,
    tpu.vector_store %arg10[%swap3A_205, %swap3A_206], %add3A_203 {strides = array<i32>} : memref<4x128xi32, #tpu.memory_space<vmem>>, vector<16xi32>,
    %add3A_208 = arith.constant 464 : i32
    %add3A_209 = vector.broadcast %add3A_208 : i32 to vector<16xi32>
    %add3A_210 = arith.addi %iota3A, %add3A_209 : vector<16xi32>
    %swap3A_211 = arith.constant 3 : i32
    %swap3A_212 = arith.index_cast %swap3A_211 : i32 to index
    %swap3A_213 = arith.constant 80 : index
    %swap3A_214 = tpu.vector_load %arg10[%swap3A_212, %swap3A_213] {strides = array<i32>} : memref<4x128xi32, #tpu.memory_space<vmem>>, vector<16xi32>,
    tpu.vector_store %arg10[%swap3A_212, %swap3A_213], %add3A_210 {strides = array<i32>} : memref<4x128xi32, #tpu.memory_space<vmem>>, vector<16xi32>,
    %add3A_215 = arith.constant 480 : i32
    %add3A_216 = vector.broadcast %add3A_215 : i32 to vector<16xi32>
    %add3A_217 = arith.addi %iota3A, %add3A_216 : vector<16xi32>
    %swap3A_218 = arith.constant 3 : i32
    %swap3A_219 = arith.index_cast %swap3A_218 : i32 to index
    %swap3A_220 = arith.constant 96 : index
    %swap3A_221 = tpu.vector_load %arg10[%swap3A_219, %swap3A_220] {strides = array<i32>} : memref<4x128xi32, #tpu.memory_space<vmem>>, vector<16xi32>,
    tpu.vector_store %arg10[%swap3A_219, %swap3A_220], %add3A_217 {strides = array<i32>} : memref<4x128xi32, #tpu.memory_space<vmem>>, vector<16xi32>,
    %add3A_222 = arith.constant 496 : i32
    %add3A_223 = vector.broadcast %add3A_222 : i32 to vector<16xi32>
    %add3A_224 = arith.addi %iota3A, %add3A_223 : vector<16xi32>
    %swap3A_225 = arith.constant 3 : i32
    %swap3A_226 = arith.index_cast %swap3A_225 : i32 to index
    %swap3A_227 = arith.constant 112 : index
    %swap3A_228 = tpu.vector_load %arg10[%swap3A_226, %swap3A_227] {strides = array<i32>} : memref<4x128xi32, #tpu.memory_space<vmem>>, vector<16xi32>,
    tpu.vector_store %arg10[%swap3A_226, %swap3A_227], %add3A_224 {strides = array<i32>} : memref<4x128xi32, #tpu.memory_space<vmem>>, vector<16xi32>,
    %eq3A = arith.constant 0 : i32
    %eq3A_229 = arith.cmpi eq, %arg1, %eq3A : i32
    %convert_element_type3A = arith.extui %eq3A_229 : i1 to i32
    %cond3A = arith.constant 0 : i32
    %cond3A_230 = arith.cmpi ne, %convert_element_type3A, %cond3A : i32
    scf.if %cond3A_230 {
      "tpu.region"() ({
        %run_scoped3A_1082 = tpu.sem_alloc : memref<!tpu.dma_semaphore, #tpu.memory_space<semaphore_mem>>
        tpu.enqueue_dma source(%arg9 : memref<512x128xf32, #tpu.memory_space<vmem>>) target(%arg11 : memref<512x128xf32, #tpu.memory_space<vmem_shared>>) target_semaphore(%run_scoped3A_1082 : memref<!tpu.dma_semaphore, #tpu.memory_space<semaphore_mem>>)
        tpu.wait_dma2 semaphore(%run_scoped3A_1082 : memref<!tpu.dma_semaphore, #tpu.memory_space<semaphore_mem>>) src(%arg9 : memref<512x128xf32, #tpu.memory_space<vmem>>) dst(%arg11 : memref<512x128xf32, #tpu.memory_space<vmem_shared>>)
        tpu.yield
      }) : () -> ()
    } else {
    }
    %barrier3A = arith.constant 0 : index
    tpu.barrier barrier_id(%barrier3A)
    %add3A_231 = arith.constant 0 : i32
    %add3A_232 = arith.addi %mul3A_2, %add3A_231 : i32
    %dma_start3A = tpu.memref_slice %arg2[%add3A_232] : memref<6400000xf32, #tpu.memory_space<hbm>> -> memref<10000xf32, #tpu.memory_space<hbm>>
    %dma_start3A_233 = tpu.memref_slice %arg2[%add3A_232] : memref<6400000xf32, #tpu.memory_space<hbm>> -> memref<10000xf32, #tpu.memory_space<hbm>>
    tpu.enqueue_dma source(%dma_start3A_233 : memref<10000xf32, #tpu.memory_space<hbm>>) target(%arg5 : memref<10000xf32, #tpu.memory_space<vmem>>) target_semaphore(%arg12 : memref<!tpu.dma_semaphore, #tpu.memory_space<semaphore_mem>>)
    %dma_start3A_234 = tpu.memref_slice %arg3[%add3A_232] : memref<6400000xi32, #tpu.memory_space<hbm>> -> memref<10000xi32, #tpu.memory_space<hbm>>
    %dma_start3A_235 = tpu.memref_slice %arg3[%add3A_232] : memref<6400000xi32, #tpu.memory_space<hbm>> -> memref<10000xi32, #tpu.memory_space<hbm>>
    tpu.enqueue_dma source(%dma_start3A_235 : memref<10000xi32, #tpu.memory_space<hbm>>) target(%arg7 : memref<10000xi32, #tpu.memory_space<vmem>>) target_semaphore(%arg12 : memref<!tpu.dma_semaphore, #tpu.memory_space<semaphore_mem>>)
    %add3A_236 = arith.constant 10000 : i32
    %add3A_237 = arith.addi %mul3A_2, %add3A_236 : i32
    %dma_start3A_238 = tpu.memref_slice %arg2[%add3A_237] : memref<6400000xf32, #tpu.memory_space<hbm>> -> memref<10000xf32, #tpu.memory_space<hbm>>
    %dma_start3A_239 = tpu.memref_slice %arg2[%add3A_237] : memref<6400000xf32, #tpu.memory_space<hbm>> -> memref<10000xf32, #tpu.memory_space<hbm>>
    tpu.enqueue_dma source(%dma_start3A_239 : memref<10000xf32, #tpu.memory_space<hbm>>) target(%arg6 : memref<10000xf32, #tpu.memory_space<vmem>>) target_semaphore(%arg13 : memref<!tpu.dma_semaphore, #tpu.memory_space<semaphore_mem>>)
    %dma_start3A_240 = tpu.memref_slice %arg3[%add3A_237] : memref<6400000xi32, #tpu.memory_space<hbm>> -> memref<10000xi32, #tpu.memory_space<hbm>>
    %dma_start3A_241 = tpu.memref_slice %arg3[%add3A_237] : memref<6400000xi32, #tpu.memory_space<hbm>> -> memref<10000xi32, #tpu.memory_space<hbm>>
    tpu.enqueue_dma source(%dma_start3A_241 : memref<10000xi32, #tpu.memory_space<hbm>>) target(%arg8 : memref<10000xi32, #tpu.memory_space<vmem>>) target_semaphore(%arg13 : memref<!tpu.dma_semaphore, #tpu.memory_space<semaphore_mem>>)
    %scan3A = arith.constant 0 : i32
    %scan3A_242 = arith.constant 0 : i32
    %scan3A_243 = arith.constant 10 : i32
    %scan3A_244 = arith.addi %scan3A_242, %scan3A_243 : i32
    %scan3A_245 = arith.constant 1 : i32
    scf.for %scan3A_1082 = %scan3A_242 to %scan3A_244 step %scan3A_245  : i32 {
      %mul3A_1083 = arith.constant 2 : i32
      %mul3A_1084 = arith.muli %scan3A_1082, %mul3A_1083 : i32
      %add3A_1085 = arith.constant 0 : i32
      %add3A_1086 = arith.addi %mul3A_1084, %add3A_1085 : i32
      %mul3A_1087 = arith.constant 10000 : i32
      %mul3A_1088 = arith.muli %add3A_1086, %mul3A_1087 : i32
      %add3A_1089 = arith.addi %mul3A_2, %mul3A_1088 : i32
      %dma_wait3A_1090 = tpu.memref_slice %arg2[%add3A_1089] : memref<6400000xf32, #tpu.memory_space<hbm>> -> memref<10000xf32, #tpu.memory_space<hbm>>
      %dma_wait3A_1091 = tpu.memref_slice %arg2[%add3A_1089] : memref<6400000xf32, #tpu.memory_space<hbm>> -> memref<10000xf32, #tpu.memory_space<hbm>>
      tpu.wait_dma2 semaphore(%arg12 : memref<!tpu.dma_semaphore, #tpu.memory_space<semaphore_mem>>) src(%dma_wait3A_1091 : memref<10000xf32, #tpu.memory_space<hbm>>) dst(%arg5 : memref<10000xf32, #tpu.memory_space<vmem>>)
      %dma_wait3A_1092 = tpu.memref_slice %arg3[%add3A_1089] : memref<6400000xi32, #tpu.memory_space<hbm>> -> memref<10000xi32, #tpu.memory_space<hbm>>
      %dma_wait3A_1093 = tpu.memref_slice %arg3[%add3A_1089] : memref<6400000xi32, #tpu.memory_space<hbm>> -> memref<10000xi32, #tpu.memory_space<hbm>>
      tpu.wait_dma2 semaphore(%arg12 : memref<!tpu.dma_semaphore, #tpu.memory_space<semaphore_mem>>) src(%dma_wait3A_1093 : memref<10000xi32, #tpu.memory_space<hbm>>) dst(%arg7 : memref<10000xi32, #tpu.memory_space<vmem>>)
      %parallel_loop3A_1094 = arith.constant 0 : i32
      %parallel_loop3A_1095 = arith.constant 625 : i32
      %parallel_loop3A_1096 = arith.constant 1 : i32
      scf.for %parallel_loop3A_1122 = %parallel_loop3A_1094 to %parallel_loop3A_1095 step %parallel_loop3A_1096  : i32 {
        %parallel_loop3A_1123 = arith.constant 16 : i32
        %parallel_loop3A_1124 = arith.muli %parallel_loop3A_1122, %parallel_loop3A_1123 : i32
        %parallel_loop3A_1125 = arith.index_cast %parallel_loop3A_1124 : i32 to index
        %parallel_loop3A_1126 = tpu.vector_load %arg5[%parallel_loop3A_1125] {strides = array<i32>} : memref<10000xf32, #tpu.memory_space<vmem>>, vector<16xf32>,
        %parallel_loop3A_1127 = arith.index_cast %parallel_loop3A_1124 : i32 to index
        %parallel_loop3A_1128 = tpu.vector_load %arg7[%parallel_loop3A_1127] {strides = array<i32>} : memref<10000xi32, #tpu.memory_space<vmem>>, vector<16xi32>,
        %parallel_loop3A_1129 = arith.constant 3 : i32
        %parallel_loop3A_1130 = vector.broadcast %parallel_loop3A_1129 : i32 to vector<16xi32>
        %parallel_loop3A_1131 = arith.shrui %parallel_loop3A_1128, %parallel_loop3A_1130 : vector<16xi32>
        %parallel_loop3A_1132 = arith.constant 7 : i32
        %parallel_loop3A_1133 = vector.broadcast %parallel_loop3A_1132 : i32 to vector<16xi32>
        %parallel_loop3A_1134 = arith.andi %parallel_loop3A_1128, %parallel_loop3A_1133 : vector<16xi32>
        %parallel_loop3A_1135 = arith.constant 4 : i32
        %parallel_loop3A_1136 = vector.broadcast %parallel_loop3A_1135 : i32 to vector<16xi32>
        %parallel_loop3A_1137 = arith.shli %parallel_loop3A_1134, %parallel_loop3A_1136 : vector<16xi32>
        %parallel_loop3A_1138 = arith.addi %parallel_loop3A_1137, %iota3A : vector<16xi32>
        tpu.vector_store_idx %arg9[%parallel_loop3A_1131, %parallel_loop3A_1138], %parallel_loop3A_1126 {add = true} : memref<512x128xf32, #tpu.memory_space<vmem>>[vector<16xi32>, vector<16xi32>], vector<16xf32>,
      } {sc.loop_unroll_factor = 8 : i64, sc.parallel_access}
      %add3A_1097 = arith.constant 2 : i32
      %add3A_1098 = arith.addi %add3A_1086, %add3A_1097 : i32
      %lt3A = arith.constant 20 : i32
      %lt3A_1099 = arith.cmpi slt, %add3A_1098, %lt3A : i32
      %convert_element_type3A_1100 = arith.extui %lt3A_1099 : i1 to i32
      %cond3A_1101 = arith.constant 0 : i32
      %cond3A_1102 = arith.cmpi ne, %convert_element_type3A_1100, %cond3A_1101 : i32
      scf.if %cond3A_1102 {
        %add3A_1122 = arith.constant 2 : i32
        %add3A_1123 = arith.addi %add3A_1086, %add3A_1122 : i32
        %mul3A_1124 = arith.constant 10000 : i32
        %mul3A_1125 = arith.muli %add3A_1123, %mul3A_1124 : i32
        %add3A_1126 = arith.addi %mul3A_2, %mul3A_1125 : i32
        %dma_start3A_1127 = tpu.memref_slice %arg2[%add3A_1126] : memref<6400000xf32, #tpu.memory_space<hbm>> -> memref<10000xf32, #tpu.memory_space<hbm>>
        %dma_start3A_1128 = tpu.memref_slice %arg2[%add3A_1126] : memref<6400000xf32, #tpu.memory_space<hbm>> -> memref<10000xf32, #tpu.memory_space<hbm>>
        tpu.enqueue_dma source(%dma_start3A_1128 : memref<10000xf32, #tpu.memory_space<hbm>>) target(%arg5 : memref<10000xf32, #tpu.memory_space<vmem>>) target_semaphore(%arg12 : memref<!tpu.dma_semaphore, #tpu.memory_space<semaphore_mem>>)
        %dma_start3A_1129 = tpu.memref_slice %arg3[%add3A_1126] : memref<6400000xi32, #tpu.memory_space<hbm>> -> memref<10000xi32, #tpu.memory_space<hbm>>
        %dma_start3A_1130 = tpu.memref_slice %arg3[%add3A_1126] : memref<6400000xi32, #tpu.memory_space<hbm>> -> memref<10000xi32, #tpu.memory_space<hbm>>
        tpu.enqueue_dma source(%dma_start3A_1130 : memref<10000xi32, #tpu.memory_space<hbm>>) target(%arg7 : memref<10000xi32, #tpu.memory_space<vmem>>) target_semaphore(%arg12 : memref<!tpu.dma_semaphore, #tpu.memory_space<semaphore_mem>>)
      } else {
      }
      %add3A_1103 = arith.constant 1 : i32
      %add3A_1104 = arith.addi %mul3A_1084, %add3A_1103 : i32
      %mul3A_1105 = arith.constant 10000 : i32
      %mul3A_1106 = arith.muli %add3A_1104, %mul3A_1105 : i32
      %add3A_1107 = arith.addi %mul3A_2, %mul3A_1106 : i32
      %dma_wait3A_1108 = tpu.memref_slice %arg2[%add3A_1107] : memref<6400000xf32, #tpu.memory_space<hbm>> -> memref<10000xf32, #tpu.memory_space<hbm>>
      %dma_wait3A_1109 = tpu.memref_slice %arg2[%add3A_1107] : memref<6400000xf32, #tpu.memory_space<hbm>> -> memref<10000xf32, #tpu.memory_space<hbm>>
      tpu.wait_dma2 semaphore(%arg13 : memref<!tpu.dma_semaphore, #tpu.memory_space<semaphore_mem>>) src(%dma_wait3A_1109 : memref<10000xf32, #tpu.memory_space<hbm>>) dst(%arg6 : memref<10000xf32, #tpu.memory_space<vmem>>)
      %dma_wait3A_1110 = tpu.memref_slice %arg3[%add3A_1107] : memref<6400000xi32, #tpu.memory_space<hbm>> -> memref<10000xi32, #tpu.memory_space<hbm>>
      %dma_wait3A_1111 = tpu.memref_slice %arg3[%add3A_1107] : memref<6400000xi32, #tpu.memory_space<hbm>> -> memref<10000xi32, #tpu.memory_space<hbm>>
      tpu.wait_dma2 semaphore(%arg13 : memref<!tpu.dma_semaphore, #tpu.memory_space<semaphore_mem>>) src(%dma_wait3A_1111 : memref<10000xi32, #tpu.memory_space<hbm>>) dst(%arg8 : memref<10000xi32, #tpu.memory_space<vmem>>)
      %parallel_loop3A_1112 = arith.constant 0 : i32
      %parallel_loop3A_1113 = arith.constant 625 : i32
      %parallel_loop3A_1114 = arith.constant 1 : i32
      scf.for %parallel_loop3A_1122 = %parallel_loop3A_1112 to %parallel_loop3A_1113 step %parallel_loop3A_1114  : i32 {
        %parallel_loop3A_1123 = arith.constant 16 : i32
        %parallel_loop3A_1124 = arith.muli %parallel_loop3A_1122, %parallel_loop3A_1123 : i32
        %parallel_loop3A_1125 = arith.index_cast %parallel_loop3A_1124 : i32 to index
        %parallel_loop3A_1126 = tpu.vector_load %arg6[%parallel_loop3A_1125] {strides = array<i32>} : memref<10000xf32, #tpu.memory_space<vmem>>, vector<16xf32>,
        %parallel_loop3A_1127 = arith.index_cast %parallel_loop3A_1124 : i32 to index
        %parallel_loop3A_1128 = tpu.vector_load %arg8[%parallel_loop3A_1127] {strides = array<i32>} : memref<10000xi32, #tpu.memory_space<vmem>>, vector<16xi32>,
        %parallel_loop3A_1129 = arith.constant 3 : i32
        %parallel_loop3A_1130 = vector.broadcast %parallel_loop3A_1129 : i32 to vector<16xi32>
        %parallel_loop3A_1131 = arith.shrui %parallel_loop3A_1128, %parallel_loop3A_1130 : vector<16xi32>
        %parallel_loop3A_1132 = arith.constant 7 : i32
        %parallel_loop3A_1133 = vector.broadcast %parallel_loop3A_1132 : i32 to vector<16xi32>
        %parallel_loop3A_1134 = arith.andi %parallel_loop3A_1128, %parallel_loop3A_1133 : vector<16xi32>
        %parallel_loop3A_1135 = arith.constant 4 : i32
        %parallel_loop3A_1136 = vector.broadcast %parallel_loop3A_1135 : i32 to vector<16xi32>
        %parallel_loop3A_1137 = arith.shli %parallel_loop3A_1134, %parallel_loop3A_1136 : vector<16xi32>
        %parallel_loop3A_1138 = arith.addi %parallel_loop3A_1137, %iota3A : vector<16xi32>
        tpu.vector_store_idx %arg9[%parallel_loop3A_1131, %parallel_loop3A_1138], %parallel_loop3A_1126 {add = true} : memref<512x128xf32, #tpu.memory_space<vmem>>[vector<16xi32>, vector<16xi32>], vector<16xf32>,
      } {sc.loop_unroll_factor = 8 : i64, sc.parallel_access}
      %add3A_1115 = arith.constant 2 : i32
      %add3A_1116 = arith.addi %add3A_1104, %add3A_1115 : i32
      %lt3A_1117 = arith.constant 20 : i32
      %lt3A_1118 = arith.cmpi slt, %add3A_1116, %lt3A_1117 : i32
      %convert_element_type3A_1119 = arith.extui %lt3A_1118 : i1 to i32
      %cond3A_1120 = arith.constant 0 : i32
      %cond3A_1121 = arith.cmpi ne, %convert_element_type3A_1119, %cond3A_1120 : i32
      scf.if %cond3A_1121 {
        %add3A_1122 = arith.constant 2 : i32
        %add3A_1123 = arith.addi %add3A_1104, %add3A_1122 : i32
        %mul3A_1124 = arith.constant 10000 : i32
        %mul3A_1125 = arith.muli %add3A_1123, %mul3A_1124 : i32
        %add3A_1126 = arith.addi %mul3A_2, %mul3A_1125 : i32
        %dma_start3A_1127 = tpu.memref_slice %arg2[%add3A_1126] : memref<6400000xf32, #tpu.memory_space<hbm>> -> memref<10000xf32, #tpu.memory_space<hbm>>
        %dma_start3A_1128 = tpu.memref_slice %arg2[%add3A_1126] : memref<6400000xf32, #tpu.memory_space<hbm>> -> memref<10000xf32, #tpu.memory_space<hbm>>
        tpu.enqueue_dma source(%dma_start3A_1128 : memref<10000xf32, #tpu.memory_space<hbm>>) target(%arg6 : memref<10000xf32, #tpu.memory_space<vmem>>) target_semaphore(%arg13 : memref<!tpu.dma_semaphore, #tpu.memory_space<semaphore_mem>>)
        %dma_start3A_1129 = tpu.memref_slice %arg3[%add3A_1126] : memref<6400000xi32, #tpu.memory_space<hbm>> -> memref<10000xi32, #tpu.memory_space<hbm>>
        %dma_start3A_1130 = tpu.memref_slice %arg3[%add3A_1126] : memref<6400000xi32, #tpu.memory_space<hbm>> -> memref<10000xi32, #tpu.memory_space<hbm>>
        tpu.enqueue_dma source(%dma_start3A_1130 : memref<10000xi32, #tpu.memory_space<hbm>>) target(%arg8 : memref<10000xi32, #tpu.memory_space<vmem>>) target_semaphore(%arg13 : memref<!tpu.dma_semaphore, #tpu.memory_space<semaphore_mem>>)
      } else {
      }
    }
    %scan3A_246 = arith.constant 10 : i32
    %run_scoped3A = arith.constant 0 : i32
    "tpu.region"() ({
      %run_scoped3A_1082 = tpu.sem_alloc : memref<!tpu.dma_semaphore, #tpu.memory_space<semaphore_mem>>
      %dma_start3A_1083 = arith.constant 0 : i32
      %dma_start3A_1084 = arith.constant 0 : i32
      %dma_start3A_1085 = tpu.memref_slice %arg9[%dma_start3A_1083, %dma_start3A_1084] : memref<512x128xf32, #tpu.memory_space<vmem>> -> memref<128x128xf32, #tpu.memory_space<vmem>>
      %dma_start3A_1086 = arith.constant 0 : i32
      %dma_start3A_1087 = tpu.memref_slice %arg10[%run_scoped3A, %dma_start3A_1086] : memref<4x128xi32, #tpu.memory_space<vmem>> -> memref<1x128xi32, #tpu.memory_space<vmem>>
      %dma_start3A_1088 = tpu.memref_squeeze %dma_start3A_1087 : memref<1x128xi32, #tpu.memory_space<vmem>> -> memref<128xi32, #tpu.memory_space<vmem>>
      %dma_start3A_1089 = arith.constant 0 : i32
      %dma_start3A_1090 = arith.constant 0 : i32
      %dma_start3A_1091 = tpu.memref_slice %arg11[%dma_start3A_1089, %dma_start3A_1090] : memref<512x128xf32, #tpu.memory_space<vmem_shared>> -> memref<512x128xf32, #tpu.memory_space<vmem_shared>>
      tpu.enqueue_indirect_dma source(%dma_start3A_1085 : memref<128x128xf32, #tpu.memory_space<vmem>>) target(%dma_start3A_1091 : memref<512x128xf32, #tpu.memory_space<vmem_shared>>) offsets(%dma_start3A_1088 : memref<128xi32, #tpu.memory_space<vmem>>) semaphore(%run_scoped3A_1082 : memref<!tpu.dma_semaphore, #tpu.memory_space<semaphore_mem>>) {add = true}
      %dma_wait3A_1092 = arith.constant 0 : i32
      %dma_wait3A_1093 = arith.constant 0 : i32
      %dma_wait3A_1094 = tpu.memref_slice %arg9[%dma_wait3A_1092, %dma_wait3A_1093] : memref<512x128xf32, #tpu.memory_space<vmem>> -> memref<128x128xf32, #tpu.memory_space<vmem>>
      %dma_wait3A_1095 = arith.constant 0 : i32
      %dma_wait3A_1096 = tpu.memref_slice %arg10[%run_scoped3A, %dma_wait3A_1095] : memref<4x128xi32, #tpu.memory_space<vmem>> -> memref<1x128xi32, #tpu.memory_space<vmem>>
      %dma_wait3A_1097 = tpu.memref_squeeze %dma_wait3A_1096 : memref<1x128xi32, #tpu.memory_space<vmem>> -> memref<128xi32, #tpu.memory_space<vmem>>
      %dma_wait3A_1098 = arith.constant 0 : i32
      %dma_wait3A_1099 = arith.constant 0 : i32
      %dma_wait3A_1100 = tpu.memref_slice %arg11[%dma_wait3A_1098, %dma_wait3A_1099] : memref<512x128xf32, #tpu.memory_space<vmem_shared>> -> memref<512x128xf32, #tpu.memory_space<vmem_shared>>
      tpu.wait_indirect_dma semaphore(%run_scoped3A_1082 : memref<!tpu.dma_semaphore, #tpu.memory_space<semaphore_mem>>) src(%dma_wait3A_1094 : memref<128x128xf32, #tpu.memory_space<vmem>>) dst(%dma_wait3A_1100 : memref<512x128xf32, #tpu.memory_space<vmem_shared>>)
      tpu.yield
    }) : () -> ()
    %run_scoped3A_247 = arith.constant 1 : i32
    "tpu.region"() ({
      %run_scoped3A_1082 = tpu.sem_alloc : memref<!tpu.dma_semaphore, #tpu.memory_space<semaphore_mem>>
      %dma_start3A_1083 = arith.constant 128 : i32
      %dma_start3A_1084 = arith.constant 0 : i32
      %dma_start3A_1085 = tpu.memref_slice %arg9[%dma_start3A_1083, %dma_start3A_1084] : memref<512x128xf32, #tpu.memory_space<vmem>> -> memref<128x128xf32, #tpu.memory_space<vmem>>
      %dma_start3A_1086 = arith.constant 0 : i32
      %dma_start3A_1087 = tpu.memref_slice %arg10[%run_scoped3A_247, %dma_start3A_1086] : memref<4x128xi32, #tpu.memory_space<vmem>> -> memref<1x128xi32, #tpu.memory_space<vmem>>
      %dma_start3A_1088 = tpu.memref_squeeze %dma_start3A_1087 : memref<1x128xi32, #tpu.memory_space<vmem>> -> memref<128xi32, #tpu.memory_space<vmem>>
      %dma_start3A_1089 = arith.constant 0 : i32
      %dma_start3A_1090 = arith.constant 0 : i32
      %dma_start3A_1091 = tpu.memref_slice %arg11[%dma_start3A_1089, %dma_start3A_1090] : memref<512x128xf32, #tpu.memory_space<vmem_shared>> -> memref<512x128xf32, #tpu.memory_space<vmem_shared>>
      tpu.enqueue_indirect_dma source(%dma_start3A_1085 : memref<128x128xf32, #tpu.memory_space<vmem>>) target(%dma_start3A_1091 : memref<512x128xf32, #tpu.memory_space<vmem_shared>>) offsets(%dma_start3A_1088 : memref<128xi32, #tpu.memory_space<vmem>>) semaphore(%run_scoped3A_1082 : memref<!tpu.dma_semaphore, #tpu.memory_space<semaphore_mem>>) {add = true}
      %dma_wait3A_1092 = arith.constant 128 : i32
      %dma_wait3A_1093 = arith.constant 0 : i32
      %dma_wait3A_1094 = tpu.memref_slice %arg9[%dma_wait3A_1092, %dma_wait3A_1093] : memref<512x128xf32, #tpu.memory_space<vmem>> -> memref<128x128xf32, #tpu.memory_space<vmem>>
      %dma_wait3A_1095 = arith.constant 0 : i32
      %dma_wait3A_1096 = tpu.memref_slice %arg10[%run_scoped3A_247, %dma_wait3A_1095] : memref<4x128xi32, #tpu.memory_space<vmem>> -> memref<1x128xi32, #tpu.memory_space<vmem>>
      %dma_wait3A_1097 = tpu.memref_squeeze %dma_wait3A_1096 : memref<1x128xi32, #tpu.memory_space<vmem>> -> memref<128xi32, #tpu.memory_space<vmem>>
      %dma_wait3A_1098 = arith.constant 0 : i32
      %dma_wait3A_1099 = arith.constant 0 : i32
      %dma_wait3A_1100 = tpu.memref_slice %arg11[%dma_wait3A_1098, %dma_wait3A_1099] : memref<512x128xf32, #tpu.memory_space<vmem_shared>> -> memref<512x128xf32, #tpu.memory_space<vmem_shared>>
      tpu.wait_indirect_dma semaphore(%run_scoped3A_1082 : memref<!tpu.dma_semaphore, #tpu.memory_space<semaphore_mem>>) src(%dma_wait3A_1094 : memref<128x128xf32, #tpu.memory_space<vmem>>) dst(%dma_wait3A_1100 : memref<512x128xf32, #tpu.memory_space<vmem_shared>>)
      tpu.yield
    }) : () -> ()
    %run_scoped3A_248 = arith.constant 2 : i32
    "tpu.region"() ({
      %run_scoped3A_1082 = tpu.sem_alloc : memref<!tpu.dma_semaphore, #tpu.memory_space<semaphore_mem>>
      %dma_start3A_1083 = arith.constant 256 : i32
      %dma_start3A_1084 = arith.constant 0 : i32
      %dma_start3A_1085 = tpu.memref_slice %arg9[%dma_start3A_1083, %dma_start3A_1084] : memref<512x128xf32, #tpu.memory_space<vmem>> -> memref<128x128xf32, #tpu.memory_space<vmem>>
      %dma_start3A_1086 = arith.constant 0 : i32
      %dma_start3A_1087 = tpu.memref_slice %arg10[%run_scoped3A_248, %dma_start3A_1086] : memref<4x128xi32, #tpu.memory_space<vmem>> -> memref<1x128xi32, #tpu.memory_space<vmem>>
      %dma_start3A_1088 = tpu.memref_squeeze %dma_start3A_1087 : memref<1x128xi32, #tpu.memory_space<vmem>> -> memref<128xi32, #tpu.memory_space<vmem>>
      %dma_start3A_1089 = arith.constant 0 : i32
      %dma_start3A_1090 = arith.constant 0 : i32
      %dma_start3A_1091 = tpu.memref_slice %arg11[%dma_start3A_1089, %dma_start3A_1090] : memref<512x128xf32, #tpu.memory_space<vmem_shared>> -> memref<512x128xf32, #tpu.memory_space<vmem_shared>>
      tpu.enqueue_indirect_dma source(%dma_start3A_1085 : memref<128x128xf32, #tpu.memory_space<vmem>>) target(%dma_start3A_1091 : memref<512x128xf32, #tpu.memory_space<vmem_shared>>) offsets(%dma_start3A_1088 : memref<128xi32, #tpu.memory_space<vmem>>) semaphore(%run_scoped3A_1082 : memref<!tpu.dma_semaphore, #tpu.memory_space<semaphore_mem>>) {add = true}
      %dma_wait3A_1092 = arith.constant 256 : i32
      %dma_wait3A_1093 = arith.constant 0 : i32
      %dma_wait3A_1094 = tpu.memref_slice %arg9[%dma_wait3A_1092, %dma_wait3A_1093] : memref<512x128xf32, #tpu.memory_space<vmem>> -> memref<128x128xf32, #tpu.memory_space<vmem>>
      %dma_wait3A_1095 = arith.constant 0 : i32
      %dma_wait3A_1096 = tpu.memref_slice %arg10[%run_scoped3A_248, %dma_wait3A_1095] : memref<4x128xi32, #tpu.memory_space<vmem>> -> memref<1x128xi32, #tpu.memory_space<vmem>>
      %dma_wait3A_1097 = tpu.memref_squeeze %dma_wait3A_1096 : memref<1x128xi32, #tpu.memory_space<vmem>> -> memref<128xi32, #tpu.memory_space<vmem>>
      %dma_wait3A_1098 = arith.constant 0 : i32
      %dma_wait3A_1099 = arith.constant 0 : i32
      %dma_wait3A_1100 = tpu.memref_slice %arg11[%dma_wait3A_1098, %dma_wait3A_1099] : memref<512x128xf32, #tpu.memory_space<vmem_shared>> -> memref<512x128xf32, #tpu.memory_space<vmem_shared>>
      tpu.wait_indirect_dma semaphore(%run_scoped3A_1082 : memref<!tpu.dma_semaphore, #tpu.memory_space<semaphore_mem>>) src(%dma_wait3A_1094 : memref<128x128xf32, #tpu.memory_space<vmem>>) dst(%dma_wait3A_1100 : memref<512x128xf32, #tpu.memory_space<vmem_shared>>)
      tpu.yield
    }) : () -> ()
    %run_scoped3A_249 = arith.constant 3 : i32
    "tpu.region"() ({
      %run_scoped3A_1082 = tpu.sem_alloc : memref<!tpu.dma_semaphore, #tpu.memory_space<semaphore_mem>>
      %dma_start3A_1083 = arith.constant 384 : i32
      %dma_start3A_1084 = arith.constant 0 : i32
      %dma_start3A_1085 = tpu.memref_slice %arg9[%dma_start3A_1083, %dma_start3A_1084] : memref<512x128xf32, #tpu.memory_space<vmem>> -> memref<128x128xf32, #tpu.memory_space<vmem>>
      %dma_start3A_1086 = arith.constant 0 : i32
      %dma_start3A_1087 = tpu.memref_slice %arg10[%run_scoped3A_249, %dma_start3A_1086] : memref<4x128xi32, #tpu.memory_space<vmem>> -> memref<1x128xi32, #tpu.memory_space<vmem>>
      %dma_start3A_1088 = tpu.memref_squeeze %dma_start3A_1087 : memref<1x128xi32, #tpu.memory_space<vmem>> -> memref<128xi32, #tpu.memory_space<vmem>>
      %dma_start3A_1089 = arith.constant 0 : i32
      %dma_start3A_1090 = arith.constant 0 : i32
      %dma_start3A_1091 = tpu.memref_slice %arg11[%dma_start3A_1089, %dma_start3A_1090] : memref<512x128xf32, #tpu.memory_space<vmem_shared>> -> memref<512x128xf32, #tpu.memory_space<vmem_shared>>
      tpu.enqueue_indirect_dma source(%dma_start3A_1085 : memref<128x128xf32, #tpu.memory_space<vmem>>) target(%dma_start3A_1091 : memref<512x128xf32, #tpu.memory_space<vmem_shared>>) offsets(%dma_start3A_1088 : memref<128xi32, #tpu.memory_space<vmem>>) semaphore(%run_scoped3A_1082 : memref<!tpu.dma_semaphore, #tpu.memory_space<semaphore_mem>>) {add = true}
      %dma_wait3A_1092 = arith.constant 384 : i32
      %dma_wait3A_1093 = arith.constant 0 : i32
      %dma_wait3A_1094 = tpu.memref_slice %arg9[%dma_wait3A_1092, %dma_wait3A_1093] : memref<512x128xf32, #tpu.memory_space<vmem>> -> memref<128x128xf32, #tpu.memory_space<vmem>>
      %dma_wait3A_1095 = arith.constant 0 : i32
      %dma_wait3A_1096 = tpu.memref_slice %arg10[%run_scoped3A_249, %dma_wait3A_1095] : memref<4x128xi32, #tpu.memory_space<vmem>> -> memref<1x128xi32, #tpu.memory_space<vmem>>
      %dma_wait3A_1097 = tpu.memref_squeeze %dma_wait3A_1096 : memref<1x128xi32, #tpu.memory_space<vmem>> -> memref<128xi32, #tpu.memory_space<vmem>>
      %dma_wait3A_1098 = arith.constant 0 : i32
      %dma_wait3A_1099 = arith.constant 0 : i32
      %dma_wait3A_1100 = tpu.memref_slice %arg11[%dma_wait3A_1098, %dma_wait3A_1099] : memref<512x128xf32, #tpu.memory_space<vmem_shared>> -> memref<512x128xf32, #tpu.memory_space<vmem_shared>>
      tpu.wait_indirect_dma semaphore(%run_scoped3A_1082 : memref<!tpu.dma_semaphore, #tpu.memory_space<semaphore_mem>>) src(%dma_wait3A_1094 : memref<128x128xf32, #tpu.memory_space<vmem>>) dst(%dma_wait3A_1100 : memref<512x128xf32, #tpu.memory_space<vmem_shared>>)
      tpu.yield
    }) : () -> ()
    %barrier3A_250 = arith.constant 0 : index
    tpu.barrier barrier_id(%barrier3A_250)
    %mul3A_251 = arith.constant 32 : i32
    %mul3A_252 = arith.muli %arg1, %mul3A_251 : i32
    %add3A_253 = arith.constant 0 : i32
    %add3A_254 = arith.addi %mul3A_252, %add3A_253 : i32
    %mul3A_255 = arith.constant 128 : i32
    %mul3A_256 = arith.muli %add3A_254, %mul3A_255 : i32
    %dma_start3A_257 = arith.constant 0 : i32
    %dma_start3A_258 = tpu.memref_slice %arg4[%arg0, %dma_start3A_257] : memref<2x65536xf32, #tpu.memory_space<hbm>> -> memref<1x65536xf32, #tpu.memory_space<hbm>>
    %dma_start3A_259 = tpu.memref_squeeze %dma_start3A_258 : memref<1x65536xf32, #tpu.memory_space<hbm>> -> memref<65536xf32, #tpu.memory_space<hbm>>
    %dma_start3A_260 = tpu.memref_slice %dma_start3A_259[%mul3A_256] : memref<65536xf32, #tpu.memory_space<hbm>> -> memref<128xf32, #tpu.memory_space<hbm>>
    %dma_start3A_261 = arith.constant 0 : i32
    %dma_start3A_262 = tpu.memref_slice %arg11[%add3A_254, %dma_start3A_261] : memref<512x128xf32, #tpu.memory_space<vmem_shared>> -> memref<1x128xf32, #tpu.memory_space<vmem_shared>>
    %dma_start3A_263 = tpu.memref_squeeze %dma_start3A_262 : memref<1x128xf32, #tpu.memory_space<vmem_shared>> -> memref<128xf32, #tpu.memory_space<vmem_shared>>
    tpu.enqueue_dma source(%dma_start3A_263 : memref<128xf32, #tpu.memory_space<vmem_shared>>) target(%dma_start3A_260 : memref<128xf32, #tpu.memory_space<hbm>>) target_semaphore(%arg12 : memref<!tpu.dma_semaphore, #tpu.memory_space<semaphore_mem>>)
    %mul3A_264 = arith.constant 32 : i32
    %mul3A_265 = arith.muli %arg1, %mul3A_264 : i32
    %add3A_266 = arith.constant 1 : i32
    %add3A_267 = arith.addi %mul3A_265, %add3A_266 : i32
    %mul3A_268 = arith.constant 128 : i32
    %mul3A_269 = arith.muli %add3A_267, %mul3A_268 : i32
    %dma_start3A_270 = arith.constant 0 : i32
    %dma_start3A_271 = tpu.memref_slice %arg4[%arg0, %dma_start3A_270] : memref<2x65536xf32, #tpu.memory_space<hbm>> -> memref<1x65536xf32, #tpu.memory_space<hbm>>
    %dma_start3A_272 = tpu.memref_squeeze %dma_start3A_271 : memref<1x65536xf32, #tpu.memory_space<hbm>> -> memref<65536xf32, #tpu.memory_space<hbm>>
    %dma_start3A_273 = tpu.memref_slice %dma_start3A_272[%mul3A_269] : memref<65536xf32, #tpu.memory_space<hbm>> -> memref<128xf32, #tpu.memory_space<hbm>>
    %dma_start3A_274 = arith.constant 0 : i32
    %dma_start3A_275 = tpu.memref_slice %arg11[%add3A_267, %dma_start3A_274] : memref<512x128xf32, #tpu.memory_space<vmem_shared>> -> memref<1x128xf32, #tpu.memory_space<vmem_shared>>
    %dma_start3A_276 = tpu.memref_squeeze %dma_start3A_275 : memref<1x128xf32, #tpu.memory_space<vmem_shared>> -> memref<128xf32, #tpu.memory_space<vmem_shared>>
    tpu.enqueue_dma source(%dma_start3A_276 : memref<128xf32, #tpu.memory_space<vmem_shared>>) target(%dma_start3A_273 : memref<128xf32, #tpu.memory_space<hbm>>) target_semaphore(%arg12 : memref<!tpu.dma_semaphore, #tpu.memory_space<semaphore_mem>>)
    %mul3A_277 = arith.constant 32 : i32
    %mul3A_278 = arith.muli %arg1, %mul3A_277 : i32
    %add3A_279 = arith.constant 2 : i32
    %add3A_280 = arith.addi %mul3A_278, %add3A_279 : i32
    %mul3A_281 = arith.constant 128 : i32
    %mul3A_282 = arith.muli %add3A_280, %mul3A_281 : i32
    %dma_start3A_283 = arith.constant 0 : i32
    %dma_start3A_284 = tpu.memref_slice %arg4[%arg0, %dma_start3A_283] : memref<2x65536xf32, #tpu.memory_space<hbm>> -> memref<1x65536xf32, #tpu.memory_space<hbm>>
    %dma_start3A_285 = tpu.memref_squeeze %dma_start3A_284 : memref<1x65536xf32, #tpu.memory_space<hbm>> -> memref<65536xf32, #tpu.memory_space<hbm>>
    %dma_start3A_286 = tpu.memref_slice %dma_start3A_285[%mul3A_282] : memref<65536xf32, #tpu.memory_space<hbm>> -> memref<128xf32, #tpu.memory_space<hbm>>
    %dma_start3A_287 = arith.constant 0 : i32
    %dma_start3A_288 = tpu.memref_slice %arg11[%add3A_280, %dma_start3A_287] : memref<512x128xf32, #tpu.memory_space<vmem_shared>> -> memref<1x128xf32, #tpu.memory_space<vmem_shared>>
    %dma_start3A_289 = tpu.memref_squeeze %dma_start3A_288 : memref<1x128xf32, #tpu.memory_space<vmem_shared>> -> memref<128xf32, #tpu.memory_space<vmem_shared>>
    tpu.enqueue_dma source(%dma_start3A_289 : memref<128xf32, #tpu.memory_space<vmem_shared>>) target(%dma_start3A_286 : memref<128xf32, #tpu.memory_space<hbm>>) target_semaphore(%arg12 : memref<!tpu.dma_semaphore, #tpu.memory_space<semaphore_mem>>)
    %mul3A_290 = arith.constant 32 : i32
    %mul3A_291 = arith.muli %arg1, %mul3A_290 : i32
    %add3A_292 = arith.constant 3 : i32
    %add3A_293 = arith.addi %mul3A_291, %add3A_292 : i32
    %mul3A_294 = arith.constant 128 : i32
    %mul3A_295 = arith.muli %add3A_293, %mul3A_294 : i32
    %dma_start3A_296 = arith.constant 0 : i32
    %dma_start3A_297 = tpu.memref_slice %arg4[%arg0, %dma_start3A_296] : memref<2x65536xf32, #tpu.memory_space<hbm>> -> memref<1x65536xf32, #tpu.memory_space<hbm>>
    %dma_start3A_298 = tpu.memref_squeeze %dma_start3A_297 : memref<1x65536xf32, #tpu.memory_space<hbm>> -> memref<65536xf32, #tpu.memory_space<hbm>>
    %dma_start3A_299 = tpu.memref_slice %dma_start3A_298[%mul3A_295] : memref<65536xf32, #tpu.memory_space<hbm>> -> memref<128xf32, #tpu.memory_space<hbm>>
    %dma_start3A_300 = arith.constant 0 : i32
    %dma_start3A_301 = tpu.memref_slice %arg11[%add3A_293, %dma_start3A_300] : memref<512x128xf32, #tpu.memory_space<vmem_shared>> -> memref<1x128xf32, #tpu.memory_space<vmem_shared>>
    %dma_start3A_302 = tpu.memref_squeeze %dma_start3A_301 : memref<1x128xf32, #tpu.memory_space<vmem_shared>> -> memref<128xf32, #tpu.memory_space<vmem_shared>>
    tpu.enqueue_dma source(%dma_start3A_302 : memref<128xf32, #tpu.memory_space<vmem_shared>>) target(%dma_start3A_299 : memref<128xf32, #tpu.memory_space<hbm>>) target_semaphore(%arg12 : memref<!tpu.dma_semaphore, #tpu.memory_space<semaphore_mem>>)
    %mul3A_303 = arith.constant 32 : i32
    %mul3A_304 = arith.muli %arg1, %mul3A_303 : i32
    %add3A_305 = arith.constant 4 : i32
    %add3A_306 = arith.addi %mul3A_304, %add3A_305 : i32
    %mul3A_307 = arith.constant 128 : i32
    %mul3A_308 = arith.muli %add3A_306, %mul3A_307 : i32
    %dma_start3A_309 = arith.constant 0 : i32
    %dma_start3A_310 = tpu.memref_slice %arg4[%arg0, %dma_start3A_309] : memref<2x65536xf32, #tpu.memory_space<hbm>> -> memref<1x65536xf32, #tpu.memory_space<hbm>>
    %dma_start3A_311 = tpu.memref_squeeze %dma_start3A_310 : memref<1x65536xf32, #tpu.memory_space<hbm>> -> memref<65536xf32, #tpu.memory_space<hbm>>
    %dma_start3A_312 = tpu.memref_slice %dma_start3A_311[%mul3A_308] : memref<65536xf32, #tpu.memory_space<hbm>> -> memref<128xf32, #tpu.memory_space<hbm>>
    %dma_start3A_313 = arith.constant 0 : i32
    %dma_start3A_314 = tpu.memref_slice %arg11[%add3A_306, %dma_start3A_313] : memref<512x128xf32, #tpu.memory_space<vmem_shared>> -> memref<1x128xf32, #tpu.memory_space<vmem_shared>>
    %dma_start3A_315 = tpu.memref_squeeze %dma_start3A_314 : memref<1x128xf32, #tpu.memory_space<vmem_shared>> -> memref<128xf32, #tpu.memory_space<vmem_shared>>
    tpu.enqueue_dma source(%dma_start3A_315 : memref<128xf32, #tpu.memory_space<vmem_shared>>) target(%dma_start3A_312 : memref<128xf32, #tpu.memory_space<hbm>>) target_semaphore(%arg12 : memref<!tpu.dma_semaphore, #tpu.memory_space<semaphore_mem>>)
    %mul3A_316 = arith.constant 32 : i32
    %mul3A_317 = arith.muli %arg1, %mul3A_316 : i32
    %add3A_318 = arith.constant 5 : i32
    %add3A_319 = arith.addi %mul3A_317, %add3A_318 : i32
    %mul3A_320 = arith.constant 128 : i32
    %mul3A_321 = arith.muli %add3A_319, %mul3A_320 : i32
    %dma_start3A_322 = arith.constant 0 : i32
    %dma_start3A_323 = tpu.memref_slice %arg4[%arg0, %dma_start3A_322] : memref<2x65536xf32, #tpu.memory_space<hbm>> -> memref<1x65536xf32, #tpu.memory_space<hbm>>
    %dma_start3A_324 = tpu.memref_squeeze %dma_start3A_323 : memref<1x65536xf32, #tpu.memory_space<hbm>> -> memref<65536xf32, #tpu.memory_space<hbm>>
    %dma_start3A_325 = tpu.memref_slice %dma_start3A_324[%mul3A_321] : memref<65536xf32, #tpu.memory_space<hbm>> -> memref<128xf32, #tpu.memory_space<hbm>>
    %dma_start3A_326 = arith.constant 0 : i32
    %dma_start3A_327 = tpu.memref_slice %arg11[%add3A_319, %dma_start3A_326] : memref<512x128xf32, #tpu.memory_space<vmem_shared>> -> memref<1x128xf32, #tpu.memory_space<vmem_shared>>
    %dma_start3A_328 = tpu.memref_squeeze %dma_start3A_327 : memref<1x128xf32, #tpu.memory_space<vmem_shared>> -> memref<128xf32, #tpu.memory_space<vmem_shared>>
    tpu.enqueue_dma source(%dma_start3A_328 : memref<128xf32, #tpu.memory_space<vmem_shared>>) target(%dma_start3A_325 : memref<128xf32, #tpu.memory_space<hbm>>) target_semaphore(%arg12 : memref<!tpu.dma_semaphore, #tpu.memory_space<semaphore_mem>>)
    %mul3A_329 = arith.constant 32 : i32
    %mul3A_330 = arith.muli %arg1, %mul3A_329 : i32
    %add3A_331 = arith.constant 6 : i32
    %add3A_332 = arith.addi %mul3A_330, %add3A_331 : i32
    %mul3A_333 = arith.constant 128 : i32
    %mul3A_334 = arith.muli %add3A_332, %mul3A_333 : i32
    %dma_start3A_335 = arith.constant 0 : i32
    %dma_start3A_336 = tpu.memref_slice %arg4[%arg0, %dma_start3A_335] : memref<2x65536xf32, #tpu.memory_space<hbm>> -> memref<1x65536xf32, #tpu.memory_space<hbm>>
    %dma_start3A_337 = tpu.memref_squeeze %dma_start3A_336 : memref<1x65536xf32, #tpu.memory_space<hbm>> -> memref<65536xf32, #tpu.memory_space<hbm>>
    %dma_start3A_338 = tpu.memref_slice %dma_start3A_337[%mul3A_334] : memref<65536xf32, #tpu.memory_space<hbm>> -> memref<128xf32, #tpu.memory_space<hbm>>
    %dma_start3A_339 = arith.constant 0 : i32
    %dma_start3A_340 = tpu.memref_slice %arg11[%add3A_332, %dma_start3A_339] : memref<512x128xf32, #tpu.memory_space<vmem_shared>> -> memref<1x128xf32, #tpu.memory_space<vmem_shared>>
    %dma_start3A_341 = tpu.memref_squeeze %dma_start3A_340 : memref<1x128xf32, #tpu.memory_space<vmem_shared>> -> memref<128xf32, #tpu.memory_space<vmem_shared>>
    tpu.enqueue_dma source(%dma_start3A_341 : memref<128xf32, #tpu.memory_space<vmem_shared>>) target(%dma_start3A_338 : memref<128xf32, #tpu.memory_space<hbm>>) target_semaphore(%arg12 : memref<!tpu.dma_semaphore, #tpu.memory_space<semaphore_mem>>)
    %mul3A_342 = arith.constant 32 : i32
    %mul3A_343 = arith.muli %arg1, %mul3A_342 : i32
    %add3A_344 = arith.constant 7 : i32
    %add3A_345 = arith.addi %mul3A_343, %add3A_344 : i32
    %mul3A_346 = arith.constant 128 : i32
    %mul3A_347 = arith.muli %add3A_345, %mul3A_346 : i32
    %dma_start3A_348 = arith.constant 0 : i32
    %dma_start3A_349 = tpu.memref_slice %arg4[%arg0, %dma_start3A_348] : memref<2x65536xf32, #tpu.memory_space<hbm>> -> memref<1x65536xf32, #tpu.memory_space<hbm>>
    %dma_start3A_350 = tpu.memref_squeeze %dma_start3A_349 : memref<1x65536xf32, #tpu.memory_space<hbm>> -> memref<65536xf32, #tpu.memory_space<hbm>>
    %dma_start3A_351 = tpu.memref_slice %dma_start3A_350[%mul3A_347] : memref<65536xf32, #tpu.memory_space<hbm>> -> memref<128xf32, #tpu.memory_space<hbm>>
    %dma_start3A_352 = arith.constant 0 : i32
    %dma_start3A_353 = tpu.memref_slice %arg11[%add3A_345, %dma_start3A_352] : memref<512x128xf32, #tpu.memory_space<vmem_shared>> -> memref<1x128xf32, #tpu.memory_space<vmem_shared>>
    %dma_start3A_354 = tpu.memref_squeeze %dma_start3A_353 : memref<1x128xf32, #tpu.memory_space<vmem_shared>> -> memref<128xf32, #tpu.memory_space<vmem_shared>>
    tpu.enqueue_dma source(%dma_start3A_354 : memref<128xf32, #tpu.memory_space<vmem_shared>>) target(%dma_start3A_351 : memref<128xf32, #tpu.memory_space<hbm>>) target_semaphore(%arg12 : memref<!tpu.dma_semaphore, #tpu.memory_space<semaphore_mem>>)
    %mul3A_355 = arith.constant 32 : i32
    %mul3A_356 = arith.muli %arg1, %mul3A_355 : i32
    %add3A_357 = arith.constant 8 : i32
    %add3A_358 = arith.addi %mul3A_356, %add3A_357 : i32
    %mul3A_359 = arith.constant 128 : i32
    %mul3A_360 = arith.muli %add3A_358, %mul3A_359 : i32
    %dma_start3A_361 = arith.constant 0 : i32
    %dma_start3A_362 = tpu.memref_slice %arg4[%arg0, %dma_start3A_361] : memref<2x65536xf32, #tpu.memory_space<hbm>> -> memref<1x65536xf32, #tpu.memory_space<hbm>>
    %dma_start3A_363 = tpu.memref_squeeze %dma_start3A_362 : memref<1x65536xf32, #tpu.memory_space<hbm>> -> memref<65536xf32, #tpu.memory_space<hbm>>
    %dma_start3A_364 = tpu.memref_slice %dma_start3A_363[%mul3A_360] : memref<65536xf32, #tpu.memory_space<hbm>> -> memref<128xf32, #tpu.memory_space<hbm>>
    %dma_start3A_365 = arith.constant 0 : i32
    %dma_start3A_366 = tpu.memref_slice %arg11[%add3A_358, %dma_start3A_365] : memref<512x128xf32, #tpu.memory_space<vmem_shared>> -> memref<1x128xf32, #tpu.memory_space<vmem_shared>>
    %dma_start3A_367 = tpu.memref_squeeze %dma_start3A_366 : memref<1x128xf32, #tpu.memory_space<vmem_shared>> -> memref<128xf32, #tpu.memory_space<vmem_shared>>
    tpu.enqueue_dma source(%dma_start3A_367 : memref<128xf32, #tpu.memory_space<vmem_shared>>) target(%dma_start3A_364 : memref<128xf32, #tpu.memory_space<hbm>>) target_semaphore(%arg12 : memref<!tpu.dma_semaphore, #tpu.memory_space<semaphore_mem>>)
    %mul3A_368 = arith.constant 32 : i32
    %mul3A_369 = arith.muli %arg1, %mul3A_368 : i32
    %add3A_370 = arith.constant 9 : i32
    %add3A_371 = arith.addi %mul3A_369, %add3A_370 : i32
    %mul3A_372 = arith.constant 128 : i32
    %mul3A_373 = arith.muli %add3A_371, %mul3A_372 : i32
    %dma_start3A_374 = arith.constant 0 : i32
    %dma_start3A_375 = tpu.memref_slice %arg4[%arg0, %dma_start3A_374] : memref<2x65536xf32, #tpu.memory_space<hbm>> -> memref<1x65536xf32, #tpu.memory_space<hbm>>
    %dma_start3A_376 = tpu.memref_squeeze %dma_start3A_375 : memref<1x65536xf32, #tpu.memory_space<hbm>> -> memref<65536xf32, #tpu.memory_space<hbm>>
    %dma_start3A_377 = tpu.memref_slice %dma_start3A_376[%mul3A_373] : memref<65536xf32, #tpu.memory_space<hbm>> -> memref<128xf32, #tpu.memory_space<hbm>>
    %dma_start3A_378 = arith.constant 0 : i32
    %dma_start3A_379 = tpu.memref_slice %arg11[%add3A_371, %dma_start3A_378] : memref<512x128xf32, #tpu.memory_space<vmem_shared>> -> memref<1x128xf32, #tpu.memory_space<vmem_shared>>
    %dma_start3A_380 = tpu.memref_squeeze %dma_start3A_379 : memref<1x128xf32, #tpu.memory_space<vmem_shared>> -> memref<128xf32, #tpu.memory_space<vmem_shared>>
    tpu.enqueue_dma source(%dma_start3A_380 : memref<128xf32, #tpu.memory_space<vmem_shared>>) target(%dma_start3A_377 : memref<128xf32, #tpu.memory_space<hbm>>) target_semaphore(%arg12 : memref<!tpu.dma_semaphore, #tpu.memory_space<semaphore_mem>>)
    %mul3A_381 = arith.constant 32 : i32
    %mul3A_382 = arith.muli %arg1, %mul3A_381 : i32
    %add3A_383 = arith.constant 10 : i32
    %add3A_384 = arith.addi %mul3A_382, %add3A_383 : i32
    %mul3A_385 = arith.constant 128 : i32
    %mul3A_386 = arith.muli %add3A_384, %mul3A_385 : i32
    %dma_start3A_387 = arith.constant 0 : i32
    %dma_start3A_388 = tpu.memref_slice %arg4[%arg0, %dma_start3A_387] : memref<2x65536xf32, #tpu.memory_space<hbm>> -> memref<1x65536xf32, #tpu.memory_space<hbm>>
    %dma_start3A_389 = tpu.memref_squeeze %dma_start3A_388 : memref<1x65536xf32, #tpu.memory_space<hbm>> -> memref<65536xf32, #tpu.memory_space<hbm>>
    %dma_start3A_390 = tpu.memref_slice %dma_start3A_389[%mul3A_386] : memref<65536xf32, #tpu.memory_space<hbm>> -> memref<128xf32, #tpu.memory_space<hbm>>
    %dma_start3A_391 = arith.constant 0 : i32
    %dma_start3A_392 = tpu.memref_slice %arg11[%add3A_384, %dma_start3A_391] : memref<512x128xf32, #tpu.memory_space<vmem_shared>> -> memref<1x128xf32, #tpu.memory_space<vmem_shared>>
    %dma_start3A_393 = tpu.memref_squeeze %dma_start3A_392 : memref<1x128xf32, #tpu.memory_space<vmem_shared>> -> memref<128xf32, #tpu.memory_space<vmem_shared>>
    tpu.enqueue_dma source(%dma_start3A_393 : memref<128xf32, #tpu.memory_space<vmem_shared>>) target(%dma_start3A_390 : memref<128xf32, #tpu.memory_space<hbm>>) target_semaphore(%arg12 : memref<!tpu.dma_semaphore, #tpu.memory_space<semaphore_mem>>)
    %mul3A_394 = arith.constant 32 : i32
    %mul3A_395 = arith.muli %arg1, %mul3A_394 : i32
    %add3A_396 = arith.constant 11 : i32
    %add3A_397 = arith.addi %mul3A_395, %add3A_396 : i32
    %mul3A_398 = arith.constant 128 : i32
    %mul3A_399 = arith.muli %add3A_397, %mul3A_398 : i32
    %dma_start3A_400 = arith.constant 0 : i32
    %dma_start3A_401 = tpu.memref_slice %arg4[%arg0, %dma_start3A_400] : memref<2x65536xf32, #tpu.memory_space<hbm>> -> memref<1x65536xf32, #tpu.memory_space<hbm>>
    %dma_start3A_402 = tpu.memref_squeeze %dma_start3A_401 : memref<1x65536xf32, #tpu.memory_space<hbm>> -> memref<65536xf32, #tpu.memory_space<hbm>>
    %dma_start3A_403 = tpu.memref_slice %dma_start3A_402[%mul3A_399] : memref<65536xf32, #tpu.memory_space<hbm>> -> memref<128xf32, #tpu.memory_space<hbm>>
    %dma_start3A_404 = arith.constant 0 : i32
    %dma_start3A_405 = tpu.memref_slice %arg11[%add3A_397, %dma_start3A_404] : memref<512x128xf32, #tpu.memory_space<vmem_shared>> -> memref<1x128xf32, #tpu.memory_space<vmem_shared>>
    %dma_start3A_406 = tpu.memref_squeeze %dma_start3A_405 : memref<1x128xf32, #tpu.memory_space<vmem_shared>> -> memref<128xf32, #tpu.memory_space<vmem_shared>>
    tpu.enqueue_dma source(%dma_start3A_406 : memref<128xf32, #tpu.memory_space<vmem_shared>>) target(%dma_start3A_403 : memref<128xf32, #tpu.memory_space<hbm>>) target_semaphore(%arg12 : memref<!tpu.dma_semaphore, #tpu.memory_space<semaphore_mem>>)
    %mul3A_407 = arith.constant 32 : i32
    %mul3A_408 = arith.muli %arg1, %mul3A_407 : i32
    %add3A_409 = arith.constant 12 : i32
    %add3A_410 = arith.addi %mul3A_408, %add3A_409 : i32
    %mul3A_411 = arith.constant 128 : i32
    %mul3A_412 = arith.muli %add3A_410, %mul3A_411 : i32
    %dma_start3A_413 = arith.constant 0 : i32
    %dma_start3A_414 = tpu.memref_slice %arg4[%arg0, %dma_start3A_413] : memref<2x65536xf32, #tpu.memory_space<hbm>> -> memref<1x65536xf32, #tpu.memory_space<hbm>>
    %dma_start3A_415 = tpu.memref_squeeze %dma_start3A_414 : memref<1x65536xf32, #tpu.memory_space<hbm>> -> memref<65536xf32, #tpu.memory_space<hbm>>
    %dma_start3A_416 = tpu.memref_slice %dma_start3A_415[%mul3A_412] : memref<65536xf32, #tpu.memory_space<hbm>> -> memref<128xf32, #tpu.memory_space<hbm>>
    %dma_start3A_417 = arith.constant 0 : i32
    %dma_start3A_418 = tpu.memref_slice %arg11[%add3A_410, %dma_start3A_417] : memref<512x128xf32, #tpu.memory_space<vmem_shared>> -> memref<1x128xf32, #tpu.memory_space<vmem_shared>>
    %dma_start3A_419 = tpu.memref_squeeze %dma_start3A_418 : memref<1x128xf32, #tpu.memory_space<vmem_shared>> -> memref<128xf32, #tpu.memory_space<vmem_shared>>
    tpu.enqueue_dma source(%dma_start3A_419 : memref<128xf32, #tpu.memory_space<vmem_shared>>) target(%dma_start3A_416 : memref<128xf32, #tpu.memory_space<hbm>>) target_semaphore(%arg12 : memref<!tpu.dma_semaphore, #tpu.memory_space<semaphore_mem>>)
    %mul3A_420 = arith.constant 32 : i32
    %mul3A_421 = arith.muli %arg1, %mul3A_420 : i32
    %add3A_422 = arith.constant 13 : i32
    %add3A_423 = arith.addi %mul3A_421, %add3A_422 : i32
    %mul3A_424 = arith.constant 128 : i32
    %mul3A_425 = arith.muli %add3A_423, %mul3A_424 : i32
    %dma_start3A_426 = arith.constant 0 : i32
    %dma_start3A_427 = tpu.memref_slice %arg4[%arg0, %dma_start3A_426] : memref<2x65536xf32, #tpu.memory_space<hbm>> -> memref<1x65536xf32, #tpu.memory_space<hbm>>
    %dma_start3A_428 = tpu.memref_squeeze %dma_start3A_427 : memref<1x65536xf32, #tpu.memory_space<hbm>> -> memref<65536xf32, #tpu.memory_space<hbm>>
    %dma_start3A_429 = tpu.memref_slice %dma_start3A_428[%mul3A_425] : memref<65536xf32, #tpu.memory_space<hbm>> -> memref<128xf32, #tpu.memory_space<hbm>>
    %dma_start3A_430 = arith.constant 0 : i32
    %dma_start3A_431 = tpu.memref_slice %arg11[%add3A_423, %dma_start3A_430] : memref<512x128xf32, #tpu.memory_space<vmem_shared>> -> memref<1x128xf32, #tpu.memory_space<vmem_shared>>
    %dma_start3A_432 = tpu.memref_squeeze %dma_start3A_431 : memref<1x128xf32, #tpu.memory_space<vmem_shared>> -> memref<128xf32, #tpu.memory_space<vmem_shared>>
    tpu.enqueue_dma source(%dma_start3A_432 : memref<128xf32, #tpu.memory_space<vmem_shared>>) target(%dma_start3A_429 : memref<128xf32, #tpu.memory_space<hbm>>) target_semaphore(%arg12 : memref<!tpu.dma_semaphore, #tpu.memory_space<semaphore_mem>>)
    %mul3A_433 = arith.constant 32 : i32
    %mul3A_434 = arith.muli %arg1, %mul3A_433 : i32
    %add3A_435 = arith.constant 14 : i32
    %add3A_436 = arith.addi %mul3A_434, %add3A_435 : i32
    %mul3A_437 = arith.constant 128 : i32
    %mul3A_438 = arith.muli %add3A_436, %mul3A_437 : i32
    %dma_start3A_439 = arith.constant 0 : i32
    %dma_start3A_440 = tpu.memref_slice %arg4[%arg0, %dma_start3A_439] : memref<2x65536xf32, #tpu.memory_space<hbm>> -> memref<1x65536xf32, #tpu.memory_space<hbm>>
    %dma_start3A_441 = tpu.memref_squeeze %dma_start3A_440 : memref<1x65536xf32, #tpu.memory_space<hbm>> -> memref<65536xf32, #tpu.memory_space<hbm>>
    %dma_start3A_442 = tpu.memref_slice %dma_start3A_441[%mul3A_438] : memref<65536xf32, #tpu.memory_space<hbm>> -> memref<128xf32, #tpu.memory_space<hbm>>
    %dma_start3A_443 = arith.constant 0 : i32
    %dma_start3A_444 = tpu.memref_slice %arg11[%add3A_436, %dma_start3A_443] : memref<512x128xf32, #tpu.memory_space<vmem_shared>> -> memref<1x128xf32, #tpu.memory_space<vmem_shared>>
    %dma_start3A_445 = tpu.memref_squeeze %dma_start3A_444 : memref<1x128xf32, #tpu.memory_space<vmem_shared>> -> memref<128xf32, #tpu.memory_space<vmem_shared>>
    tpu.enqueue_dma source(%dma_start3A_445 : memref<128xf32, #tpu.memory_space<vmem_shared>>) target(%dma_start3A_442 : memref<128xf32, #tpu.memory_space<hbm>>) target_semaphore(%arg12 : memref<!tpu.dma_semaphore, #tpu.memory_space<semaphore_mem>>)
    %mul3A_446 = arith.constant 32 : i32
    %mul3A_447 = arith.muli %arg1, %mul3A_446 : i32
    %add3A_448 = arith.constant 15 : i32
    %add3A_449 = arith.addi %mul3A_447, %add3A_448 : i32
    %mul3A_450 = arith.constant 128 : i32
    %mul3A_451 = arith.muli %add3A_449, %mul3A_450 : i32
    %dma_start3A_452 = arith.constant 0 : i32
    %dma_start3A_453 = tpu.memref_slice %arg4[%arg0, %dma_start3A_452] : memref<2x65536xf32, #tpu.memory_space<hbm>> -> memref<1x65536xf32, #tpu.memory_space<hbm>>
    %dma_start3A_454 = tpu.memref_squeeze %dma_start3A_453 : memref<1x65536xf32, #tpu.memory_space<hbm>> -> memref<65536xf32, #tpu.memory_space<hbm>>
    %dma_start3A_455 = tpu.memref_slice %dma_start3A_454[%mul3A_451] : memref<65536xf32, #tpu.memory_space<hbm>> -> memref<128xf32, #tpu.memory_space<hbm>>
    %dma_start3A_456 = arith.constant 0 : i32
    %dma_start3A_457 = tpu.memref_slice %arg11[%add3A_449, %dma_start3A_456] : memref<512x128xf32, #tpu.memory_space<vmem_shared>> -> memref<1x128xf32, #tpu.memory_space<vmem_shared>>
    %dma_start3A_458 = tpu.memref_squeeze %dma_start3A_457 : memref<1x128xf32, #tpu.memory_space<vmem_shared>> -> memref<128xf32, #tpu.memory_space<vmem_shared>>
    tpu.enqueue_dma source(%dma_start3A_458 : memref<128xf32, #tpu.memory_space<vmem_shared>>) target(%dma_start3A_455 : memref<128xf32, #tpu.memory_space<hbm>>) target_semaphore(%arg12 : memref<!tpu.dma_semaphore, #tpu.memory_space<semaphore_mem>>)
    %mul3A_459 = arith.constant 32 : i32
    %mul3A_460 = arith.muli %arg1, %mul3A_459 : i32
    %add3A_461 = arith.constant 16 : i32
    %add3A_462 = arith.addi %mul3A_460, %add3A_461 : i32
    %mul3A_463 = arith.constant 128 : i32
    %mul3A_464 = arith.muli %add3A_462, %mul3A_463 : i32
    %dma_start3A_465 = arith.constant 0 : i32
    %dma_start3A_466 = tpu.memref_slice %arg4[%arg0, %dma_start3A_465] : memref<2x65536xf32, #tpu.memory_space<hbm>> -> memref<1x65536xf32, #tpu.memory_space<hbm>>
    %dma_start3A_467 = tpu.memref_squeeze %dma_start3A_466 : memref<1x65536xf32, #tpu.memory_space<hbm>> -> memref<65536xf32, #tpu.memory_space<hbm>>
    %dma_start3A_468 = tpu.memref_slice %dma_start3A_467[%mul3A_464] : memref<65536xf32, #tpu.memory_space<hbm>> -> memref<128xf32, #tpu.memory_space<hbm>>
    %dma_start3A_469 = arith.constant 0 : i32
    %dma_start3A_470 = tpu.memref_slice %arg11[%add3A_462, %dma_start3A_469] : memref<512x128xf32, #tpu.memory_space<vmem_shared>> -> memref<1x128xf32, #tpu.memory_space<vmem_shared>>
    %dma_start3A_471 = tpu.memref_squeeze %dma_start3A_470 : memref<1x128xf32, #tpu.memory_space<vmem_shared>> -> memref<128xf32, #tpu.memory_space<vmem_shared>>
    tpu.enqueue_dma source(%dma_start3A_471 : memref<128xf32, #tpu.memory_space<vmem_shared>>) target(%dma_start3A_468 : memref<128xf32, #tpu.memory_space<hbm>>) target_semaphore(%arg12 : memref<!tpu.dma_semaphore, #tpu.memory_space<semaphore_mem>>)
    %mul3A_472 = arith.constant 32 : i32
    %mul3A_473 = arith.muli %arg1, %mul3A_472 : i32
    %add3A_474 = arith.constant 17 : i32
    %add3A_475 = arith.addi %mul3A_473, %add3A_474 : i32
    %mul3A_476 = arith.constant 128 : i32
    %mul3A_477 = arith.muli %add3A_475, %mul3A_476 : i32
    %dma_start3A_478 = arith.constant 0 : i32
    %dma_start3A_479 = tpu.memref_slice %arg4[%arg0, %dma_start3A_478] : memref<2x65536xf32, #tpu.memory_space<hbm>> -> memref<1x65536xf32, #tpu.memory_space<hbm>>
    %dma_start3A_480 = tpu.memref_squeeze %dma_start3A_479 : memref<1x65536xf32, #tpu.memory_space<hbm>> -> memref<65536xf32, #tpu.memory_space<hbm>>
    %dma_start3A_481 = tpu.memref_slice %dma_start3A_480[%mul3A_477] : memref<65536xf32, #tpu.memory_space<hbm>> -> memref<128xf32, #tpu.memory_space<hbm>>
    %dma_start3A_482 = arith.constant 0 : i32
    %dma_start3A_483 = tpu.memref_slice %arg11[%add3A_475, %dma_start3A_482] : memref<512x128xf32, #tpu.memory_space<vmem_shared>> -> memref<1x128xf32, #tpu.memory_space<vmem_shared>>
    %dma_start3A_484 = tpu.memref_squeeze %dma_start3A_483 : memref<1x128xf32, #tpu.memory_space<vmem_shared>> -> memref<128xf32, #tpu.memory_space<vmem_shared>>
    tpu.enqueue_dma source(%dma_start3A_484 : memref<128xf32, #tpu.memory_space<vmem_shared>>) target(%dma_start3A_481 : memref<128xf32, #tpu.memory_space<hbm>>) target_semaphore(%arg12 : memref<!tpu.dma_semaphore, #tpu.memory_space<semaphore_mem>>)
    %mul3A_485 = arith.constant 32 : i32
    %mul3A_486 = arith.muli %arg1, %mul3A_485 : i32
    %add3A_487 = arith.constant 18 : i32
    %add3A_488 = arith.addi %mul3A_486, %add3A_487 : i32
    %mul3A_489 = arith.constant 128 : i32
    %mul3A_490 = arith.muli %add3A_488, %mul3A_489 : i32
    %dma_start3A_491 = arith.constant 0 : i32
    %dma_start3A_492 = tpu.memref_slice %arg4[%arg0, %dma_start3A_491] : memref<2x65536xf32, #tpu.memory_space<hbm>> -> memref<1x65536xf32, #tpu.memory_space<hbm>>
    %dma_start3A_493 = tpu.memref_squeeze %dma_start3A_492 : memref<1x65536xf32, #tpu.memory_space<hbm>> -> memref<65536xf32, #tpu.memory_space<hbm>>
    %dma_start3A_494 = tpu.memref_slice %dma_start3A_493[%mul3A_490] : memref<65536xf32, #tpu.memory_space<hbm>> -> memref<128xf32, #tpu.memory_space<hbm>>
    %dma_start3A_495 = arith.constant 0 : i32
    %dma_start3A_496 = tpu.memref_slice %arg11[%add3A_488, %dma_start3A_495] : memref<512x128xf32, #tpu.memory_space<vmem_shared>> -> memref<1x128xf32, #tpu.memory_space<vmem_shared>>
    %dma_start3A_497 = tpu.memref_squeeze %dma_start3A_496 : memref<1x128xf32, #tpu.memory_space<vmem_shared>> -> memref<128xf32, #tpu.memory_space<vmem_shared>>
    tpu.enqueue_dma source(%dma_start3A_497 : memref<128xf32, #tpu.memory_space<vmem_shared>>) target(%dma_start3A_494 : memref<128xf32, #tpu.memory_space<hbm>>) target_semaphore(%arg12 : memref<!tpu.dma_semaphore, #tpu.memory_space<semaphore_mem>>)
    %mul3A_498 = arith.constant 32 : i32
    %mul3A_499 = arith.muli %arg1, %mul3A_498 : i32
    %add3A_500 = arith.constant 19 : i32
    %add3A_501 = arith.addi %mul3A_499, %add3A_500 : i32
    %mul3A_502 = arith.constant 128 : i32
    %mul3A_503 = arith.muli %add3A_501, %mul3A_502 : i32
    %dma_start3A_504 = arith.constant 0 : i32
    %dma_start3A_505 = tpu.memref_slice %arg4[%arg0, %dma_start3A_504] : memref<2x65536xf32, #tpu.memory_space<hbm>> -> memref<1x65536xf32, #tpu.memory_space<hbm>>
    %dma_start3A_506 = tpu.memref_squeeze %dma_start3A_505 : memref<1x65536xf32, #tpu.memory_space<hbm>> -> memref<65536xf32, #tpu.memory_space<hbm>>
    %dma_start3A_507 = tpu.memref_slice %dma_start3A_506[%mul3A_503] : memref<65536xf32, #tpu.memory_space<hbm>> -> memref<128xf32, #tpu.memory_space<hbm>>
    %dma_start3A_508 = arith.constant 0 : i32
    %dma_start3A_509 = tpu.memref_slice %arg11[%add3A_501, %dma_start3A_508] : memref<512x128xf32, #tpu.memory_space<vmem_shared>> -> memref<1x128xf32, #tpu.memory_space<vmem_shared>>
    %dma_start3A_510 = tpu.memref_squeeze %dma_start3A_509 : memref<1x128xf32, #tpu.memory_space<vmem_shared>> -> memref<128xf32, #tpu.memory_space<vmem_shared>>
    tpu.enqueue_dma source(%dma_start3A_510 : memref<128xf32, #tpu.memory_space<vmem_shared>>) target(%dma_start3A_507 : memref<128xf32, #tpu.memory_space<hbm>>) target_semaphore(%arg12 : memref<!tpu.dma_semaphore, #tpu.memory_space<semaphore_mem>>)
    %mul3A_511 = arith.constant 32 : i32
    %mul3A_512 = arith.muli %arg1, %mul3A_511 : i32
    %add3A_513 = arith.constant 20 : i32
    %add3A_514 = arith.addi %mul3A_512, %add3A_513 : i32
    %mul3A_515 = arith.constant 128 : i32
    %mul3A_516 = arith.muli %add3A_514, %mul3A_515 : i32
    %dma_start3A_517 = arith.constant 0 : i32
    %dma_start3A_518 = tpu.memref_slice %arg4[%arg0, %dma_start3A_517] : memref<2x65536xf32, #tpu.memory_space<hbm>> -> memref<1x65536xf32, #tpu.memory_space<hbm>>
    %dma_start3A_519 = tpu.memref_squeeze %dma_start3A_518 : memref<1x65536xf32, #tpu.memory_space<hbm>> -> memref<65536xf32, #tpu.memory_space<hbm>>
    %dma_start3A_520 = tpu.memref_slice %dma_start3A_519[%mul3A_516] : memref<65536xf32, #tpu.memory_space<hbm>> -> memref<128xf32, #tpu.memory_space<hbm>>
    %dma_start3A_521 = arith.constant 0 : i32
    %dma_start3A_522 = tpu.memref_slice %arg11[%add3A_514, %dma_start3A_521] : memref<512x128xf32, #tpu.memory_space<vmem_shared>> -> memref<1x128xf32, #tpu.memory_space<vmem_shared>>
    %dma_start3A_523 = tpu.memref_squeeze %dma_start3A_522 : memref<1x128xf32, #tpu.memory_space<vmem_shared>> -> memref<128xf32, #tpu.memory_space<vmem_shared>>
    tpu.enqueue_dma source(%dma_start3A_523 : memref<128xf32, #tpu.memory_space<vmem_shared>>) target(%dma_start3A_520 : memref<128xf32, #tpu.memory_space<hbm>>) target_semaphore(%arg12 : memref<!tpu.dma_semaphore, #tpu.memory_space<semaphore_mem>>)
    %mul3A_524 = arith.constant 32 : i32
    %mul3A_525 = arith.muli %arg1, %mul3A_524 : i32
    %add3A_526 = arith.constant 21 : i32
    %add3A_527 = arith.addi %mul3A_525, %add3A_526 : i32
    %mul3A_528 = arith.constant 128 : i32
    %mul3A_529 = arith.muli %add3A_527, %mul3A_528 : i32
    %dma_start3A_530 = arith.constant 0 : i32
    %dma_start3A_531 = tpu.memref_slice %arg4[%arg0, %dma_start3A_530] : memref<2x65536xf32, #tpu.memory_space<hbm>> -> memref<1x65536xf32, #tpu.memory_space<hbm>>
    %dma_start3A_532 = tpu.memref_squeeze %dma_start3A_531 : memref<1x65536xf32, #tpu.memory_space<hbm>> -> memref<65536xf32, #tpu.memory_space<hbm>>
    %dma_start3A_533 = tpu.memref_slice %dma_start3A_532[%mul3A_529] : memref<65536xf32, #tpu.memory_space<hbm>> -> memref<128xf32, #tpu.memory_space<hbm>>
    %dma_start3A_534 = arith.constant 0 : i32
    %dma_start3A_535 = tpu.memref_slice %arg11[%add3A_527, %dma_start3A_534] : memref<512x128xf32, #tpu.memory_space<vmem_shared>> -> memref<1x128xf32, #tpu.memory_space<vmem_shared>>
    %dma_start3A_536 = tpu.memref_squeeze %dma_start3A_535 : memref<1x128xf32, #tpu.memory_space<vmem_shared>> -> memref<128xf32, #tpu.memory_space<vmem_shared>>
    tpu.enqueue_dma source(%dma_start3A_536 : memref<128xf32, #tpu.memory_space<vmem_shared>>) target(%dma_start3A_533 : memref<128xf32, #tpu.memory_space<hbm>>) target_semaphore(%arg12 : memref<!tpu.dma_semaphore, #tpu.memory_space<semaphore_mem>>)
    %mul3A_537 = arith.constant 32 : i32
    %mul3A_538 = arith.muli %arg1, %mul3A_537 : i32
    %add3A_539 = arith.constant 22 : i32
    %add3A_540 = arith.addi %mul3A_538, %add3A_539 : i32
    %mul3A_541 = arith.constant 128 : i32
    %mul3A_542 = arith.muli %add3A_540, %mul3A_541 : i32
    %dma_start3A_543 = arith.constant 0 : i32
    %dma_start3A_544 = tpu.memref_slice %arg4[%arg0, %dma_start3A_543] : memref<2x65536xf32, #tpu.memory_space<hbm>> -> memref<1x65536xf32, #tpu.memory_space<hbm>>
    %dma_start3A_545 = tpu.memref_squeeze %dma_start3A_544 : memref<1x65536xf32, #tpu.memory_space<hbm>> -> memref<65536xf32, #tpu.memory_space<hbm>>
    %dma_start3A_546 = tpu.memref_slice %dma_start3A_545[%mul3A_542] : memref<65536xf32, #tpu.memory_space<hbm>> -> memref<128xf32, #tpu.memory_space<hbm>>
    %dma_start3A_547 = arith.constant 0 : i32
    %dma_start3A_548 = tpu.memref_slice %arg11[%add3A_540, %dma_start3A_547] : memref<512x128xf32, #tpu.memory_space<vmem_shared>> -> memref<1x128xf32, #tpu.memory_space<vmem_shared>>
    %dma_start3A_549 = tpu.memref_squeeze %dma_start3A_548 : memref<1x128xf32, #tpu.memory_space<vmem_shared>> -> memref<128xf32, #tpu.memory_space<vmem_shared>>
    tpu.enqueue_dma source(%dma_start3A_549 : memref<128xf32, #tpu.memory_space<vmem_shared>>) target(%dma_start3A_546 : memref<128xf32, #tpu.memory_space<hbm>>) target_semaphore(%arg12 : memref<!tpu.dma_semaphore, #tpu.memory_space<semaphore_mem>>)
    %mul3A_550 = arith.constant 32 : i32
    %mul3A_551 = arith.muli %arg1, %mul3A_550 : i32
    %add3A_552 = arith.constant 23 : i32
    %add3A_553 = arith.addi %mul3A_551, %add3A_552 : i32
    %mul3A_554 = arith.constant 128 : i32
    %mul3A_555 = arith.muli %add3A_553, %mul3A_554 : i32
    %dma_start3A_556 = arith.constant 0 : i32
    %dma_start3A_557 = tpu.memref_slice %arg4[%arg0, %dma_start3A_556] : memref<2x65536xf32, #tpu.memory_space<hbm>> -> memref<1x65536xf32, #tpu.memory_space<hbm>>
    %dma_start3A_558 = tpu.memref_squeeze %dma_start3A_557 : memref<1x65536xf32, #tpu.memory_space<hbm>> -> memref<65536xf32, #tpu.memory_space<hbm>>
    %dma_start3A_559 = tpu.memref_slice %dma_start3A_558[%mul3A_555] : memref<65536xf32, #tpu.memory_space<hbm>> -> memref<128xf32, #tpu.memory_space<hbm>>
    %dma_start3A_560 = arith.constant 0 : i32
    %dma_start3A_561 = tpu.memref_slice %arg11[%add3A_553, %dma_start3A_560] : memref<512x128xf32, #tpu.memory_space<vmem_shared>> -> memref<1x128xf32, #tpu.memory_space<vmem_shared>>
    %dma_start3A_562 = tpu.memref_squeeze %dma_start3A_561 : memref<1x128xf32, #tpu.memory_space<vmem_shared>> -> memref<128xf32, #tpu.memory_space<vmem_shared>>
    tpu.enqueue_dma source(%dma_start3A_562 : memref<128xf32, #tpu.memory_space<vmem_shared>>) target(%dma_start3A_559 : memref<128xf32, #tpu.memory_space<hbm>>) target_semaphore(%arg12 : memref<!tpu.dma_semaphore, #tpu.memory_space<semaphore_mem>>)
    %mul3A_563 = arith.constant 32 : i32
    %mul3A_564 = arith.muli %arg1, %mul3A_563 : i32
    %add3A_565 = arith.constant 24 : i32
    %add3A_566 = arith.addi %mul3A_564, %add3A_565 : i32
    %mul3A_567 = arith.constant 128 : i32
    %mul3A_568 = arith.muli %add3A_566, %mul3A_567 : i32
    %dma_start3A_569 = arith.constant 0 : i32
    %dma_start3A_570 = tpu.memref_slice %arg4[%arg0, %dma_start3A_569] : memref<2x65536xf32, #tpu.memory_space<hbm>> -> memref<1x65536xf32, #tpu.memory_space<hbm>>
    %dma_start3A_571 = tpu.memref_squeeze %dma_start3A_570 : memref<1x65536xf32, #tpu.memory_space<hbm>> -> memref<65536xf32, #tpu.memory_space<hbm>>
    %dma_start3A_572 = tpu.memref_slice %dma_start3A_571[%mul3A_568] : memref<65536xf32, #tpu.memory_space<hbm>> -> memref<128xf32, #tpu.memory_space<hbm>>
    %dma_start3A_573 = arith.constant 0 : i32
    %dma_start3A_574 = tpu.memref_slice %arg11[%add3A_566, %dma_start3A_573] : memref<512x128xf32, #tpu.memory_space<vmem_shared>> -> memref<1x128xf32, #tpu.memory_space<vmem_shared>>
    %dma_start3A_575 = tpu.memref_squeeze %dma_start3A_574 : memref<1x128xf32, #tpu.memory_space<vmem_shared>> -> memref<128xf32, #tpu.memory_space<vmem_shared>>
    tpu.enqueue_dma source(%dma_start3A_575 : memref<128xf32, #tpu.memory_space<vmem_shared>>) target(%dma_start3A_572 : memref<128xf32, #tpu.memory_space<hbm>>) target_semaphore(%arg12 : memref<!tpu.dma_semaphore, #tpu.memory_space<semaphore_mem>>)
    %mul3A_576 = arith.constant 32 : i32
    %mul3A_577 = arith.muli %arg1, %mul3A_576 : i32
    %add3A_578 = arith.constant 25 : i32
    %add3A_579 = arith.addi %mul3A_577, %add3A_578 : i32
    %mul3A_580 = arith.constant 128 : i32
    %mul3A_581 = arith.muli %add3A_579, %mul3A_580 : i32
    %dma_start3A_582 = arith.constant 0 : i32
    %dma_start3A_583 = tpu.memref_slice %arg4[%arg0, %dma_start3A_582] : memref<2x65536xf32, #tpu.memory_space<hbm>> -> memref<1x65536xf32, #tpu.memory_space<hbm>>
    %dma_start3A_584 = tpu.memref_squeeze %dma_start3A_583 : memref<1x65536xf32, #tpu.memory_space<hbm>> -> memref<65536xf32, #tpu.memory_space<hbm>>
    %dma_start3A_585 = tpu.memref_slice %dma_start3A_584[%mul3A_581] : memref<65536xf32, #tpu.memory_space<hbm>> -> memref<128xf32, #tpu.memory_space<hbm>>
    %dma_start3A_586 = arith.constant 0 : i32
    %dma_start3A_587 = tpu.memref_slice %arg11[%add3A_579, %dma_start3A_586] : memref<512x128xf32, #tpu.memory_space<vmem_shared>> -> memref<1x128xf32, #tpu.memory_space<vmem_shared>>
    %dma_start3A_588 = tpu.memref_squeeze %dma_start3A_587 : memref<1x128xf32, #tpu.memory_space<vmem_shared>> -> memref<128xf32, #tpu.memory_space<vmem_shared>>
    tpu.enqueue_dma source(%dma_start3A_588 : memref<128xf32, #tpu.memory_space<vmem_shared>>) target(%dma_start3A_585 : memref<128xf32, #tpu.memory_space<hbm>>) target_semaphore(%arg12 : memref<!tpu.dma_semaphore, #tpu.memory_space<semaphore_mem>>)
    %mul3A_589 = arith.constant 32 : i32
    %mul3A_590 = arith.muli %arg1, %mul3A_589 : i32
    %add3A_591 = arith.constant 26 : i32
    %add3A_592 = arith.addi %mul3A_590, %add3A_591 : i32
    %mul3A_593 = arith.constant 128 : i32
    %mul3A_594 = arith.muli %add3A_592, %mul3A_593 : i32
    %dma_start3A_595 = arith.constant 0 : i32
    %dma_start3A_596 = tpu.memref_slice %arg4[%arg0, %dma_start3A_595] : memref<2x65536xf32, #tpu.memory_space<hbm>> -> memref<1x65536xf32, #tpu.memory_space<hbm>>
    %dma_start3A_597 = tpu.memref_squeeze %dma_start3A_596 : memref<1x65536xf32, #tpu.memory_space<hbm>> -> memref<65536xf32, #tpu.memory_space<hbm>>
    %dma_start3A_598 = tpu.memref_slice %dma_start3A_597[%mul3A_594] : memref<65536xf32, #tpu.memory_space<hbm>> -> memref<128xf32, #tpu.memory_space<hbm>>
    %dma_start3A_599 = arith.constant 0 : i32
    %dma_start3A_600 = tpu.memref_slice %arg11[%add3A_592, %dma_start3A_599] : memref<512x128xf32, #tpu.memory_space<vmem_shared>> -> memref<1x128xf32, #tpu.memory_space<vmem_shared>>
    %dma_start3A_601 = tpu.memref_squeeze %dma_start3A_600 : memref<1x128xf32, #tpu.memory_space<vmem_shared>> -> memref<128xf32, #tpu.memory_space<vmem_shared>>
    tpu.enqueue_dma source(%dma_start3A_601 : memref<128xf32, #tpu.memory_space<vmem_shared>>) target(%dma_start3A_598 : memref<128xf32, #tpu.memory_space<hbm>>) target_semaphore(%arg12 : memref<!tpu.dma_semaphore, #tpu.memory_space<semaphore_mem>>)
    %mul3A_602 = arith.constant 32 : i32
    %mul3A_603 = arith.muli %arg1, %mul3A_602 : i32
    %add3A_604 = arith.constant 27 : i32
    %add3A_605 = arith.addi %mul3A_603, %add3A_604 : i32
    %mul3A_606 = arith.constant 128 : i32
    %mul3A_607 = arith.muli %add3A_605, %mul3A_606 : i32
    %dma_start3A_608 = arith.constant 0 : i32
    %dma_start3A_609 = tpu.memref_slice %arg4[%arg0, %dma_start3A_608] : memref<2x65536xf32, #tpu.memory_space<hbm>> -> memref<1x65536xf32, #tpu.memory_space<hbm>>
    %dma_start3A_610 = tpu.memref_squeeze %dma_start3A_609 : memref<1x65536xf32, #tpu.memory_space<hbm>> -> memref<65536xf32, #tpu.memory_space<hbm>>
    %dma_start3A_611 = tpu.memref_slice %dma_start3A_610[%mul3A_607] : memref<65536xf32, #tpu.memory_space<hbm>> -> memref<128xf32, #tpu.memory_space<hbm>>
    %dma_start3A_612 = arith.constant 0 : i32
    %dma_start3A_613 = tpu.memref_slice %arg11[%add3A_605, %dma_start3A_612] : memref<512x128xf32, #tpu.memory_space<vmem_shared>> -> memref<1x128xf32, #tpu.memory_space<vmem_shared>>
    %dma_start3A_614 = tpu.memref_squeeze %dma_start3A_613 : memref<1x128xf32, #tpu.memory_space<vmem_shared>> -> memref<128xf32, #tpu.memory_space<vmem_shared>>
    tpu.enqueue_dma source(%dma_start3A_614 : memref<128xf32, #tpu.memory_space<vmem_shared>>) target(%dma_start3A_611 : memref<128xf32, #tpu.memory_space<hbm>>) target_semaphore(%arg12 : memref<!tpu.dma_semaphore, #tpu.memory_space<semaphore_mem>>)
    %mul3A_615 = arith.constant 32 : i32
    %mul3A_616 = arith.muli %arg1, %mul3A_615 : i32
    %add3A_617 = arith.constant 28 : i32
    %add3A_618 = arith.addi %mul3A_616, %add3A_617 : i32
    %mul3A_619 = arith.constant 128 : i32
    %mul3A_620 = arith.muli %add3A_618, %mul3A_619 : i32
    %dma_start3A_621 = arith.constant 0 : i32
    %dma_start3A_622 = tpu.memref_slice %arg4[%arg0, %dma_start3A_621] : memref<2x65536xf32, #tpu.memory_space<hbm>> -> memref<1x65536xf32, #tpu.memory_space<hbm>>
    %dma_start3A_623 = tpu.memref_squeeze %dma_start3A_622 : memref<1x65536xf32, #tpu.memory_space<hbm>> -> memref<65536xf32, #tpu.memory_space<hbm>>
    %dma_start3A_624 = tpu.memref_slice %dma_start3A_623[%mul3A_620] : memref<65536xf32, #tpu.memory_space<hbm>> -> memref<128xf32, #tpu.memory_space<hbm>>
    %dma_start3A_625 = arith.constant 0 : i32
    %dma_start3A_626 = tpu.memref_slice %arg11[%add3A_618, %dma_start3A_625] : memref<512x128xf32, #tpu.memory_space<vmem_shared>> -> memref<1x128xf32, #tpu.memory_space<vmem_shared>>
    %dma_start3A_627 = tpu.memref_squeeze %dma_start3A_626 : memref<1x128xf32, #tpu.memory_space<vmem_shared>> -> memref<128xf32, #tpu.memory_space<vmem_shared>>
    tpu.enqueue_dma source(%dma_start3A_627 : memref<128xf32, #tpu.memory_space<vmem_shared>>) target(%dma_start3A_624 : memref<128xf32, #tpu.memory_space<hbm>>) target_semaphore(%arg12 : memref<!tpu.dma_semaphore, #tpu.memory_space<semaphore_mem>>)
    %mul3A_628 = arith.constant 32 : i32
    %mul3A_629 = arith.muli %arg1, %mul3A_628 : i32
    %add3A_630 = arith.constant 29 : i32
    %add3A_631 = arith.addi %mul3A_629, %add3A_630 : i32
    %mul3A_632 = arith.constant 128 : i32
    %mul3A_633 = arith.muli %add3A_631, %mul3A_632 : i32
    %dma_start3A_634 = arith.constant 0 : i32
    %dma_start3A_635 = tpu.memref_slice %arg4[%arg0, %dma_start3A_634] : memref<2x65536xf32, #tpu.memory_space<hbm>> -> memref<1x65536xf32, #tpu.memory_space<hbm>>
    %dma_start3A_636 = tpu.memref_squeeze %dma_start3A_635 : memref<1x65536xf32, #tpu.memory_space<hbm>> -> memref<65536xf32, #tpu.memory_space<hbm>>
    %dma_start3A_637 = tpu.memref_slice %dma_start3A_636[%mul3A_633] : memref<65536xf32, #tpu.memory_space<hbm>> -> memref<128xf32, #tpu.memory_space<hbm>>
    %dma_start3A_638 = arith.constant 0 : i32
    %dma_start3A_639 = tpu.memref_slice %arg11[%add3A_631, %dma_start3A_638] : memref<512x128xf32, #tpu.memory_space<vmem_shared>> -> memref<1x128xf32, #tpu.memory_space<vmem_shared>>
    %dma_start3A_640 = tpu.memref_squeeze %dma_start3A_639 : memref<1x128xf32, #tpu.memory_space<vmem_shared>> -> memref<128xf32, #tpu.memory_space<vmem_shared>>
    tpu.enqueue_dma source(%dma_start3A_640 : memref<128xf32, #tpu.memory_space<vmem_shared>>) target(%dma_start3A_637 : memref<128xf32, #tpu.memory_space<hbm>>) target_semaphore(%arg12 : memref<!tpu.dma_semaphore, #tpu.memory_space<semaphore_mem>>)
    %mul3A_641 = arith.constant 32 : i32
    %mul3A_642 = arith.muli %arg1, %mul3A_641 : i32
    %add3A_643 = arith.constant 30 : i32
    %add3A_644 = arith.addi %mul3A_642, %add3A_643 : i32
    %mul3A_645 = arith.constant 128 : i32
    %mul3A_646 = arith.muli %add3A_644, %mul3A_645 : i32
    %dma_start3A_647 = arith.constant 0 : i32
    %dma_start3A_648 = tpu.memref_slice %arg4[%arg0, %dma_start3A_647] : memref<2x65536xf32, #tpu.memory_space<hbm>> -> memref<1x65536xf32, #tpu.memory_space<hbm>>
    %dma_start3A_649 = tpu.memref_squeeze %dma_start3A_648 : memref<1x65536xf32, #tpu.memory_space<hbm>> -> memref<65536xf32, #tpu.memory_space<hbm>>
    %dma_start3A_650 = tpu.memref_slice %dma_start3A_649[%mul3A_646] : memref<65536xf32, #tpu.memory_space<hbm>> -> memref<128xf32, #tpu.memory_space<hbm>>
    %dma_start3A_651 = arith.constant 0 : i32
    %dma_start3A_652 = tpu.memref_slice %arg11[%add3A_644, %dma_start3A_651] : memref<512x128xf32, #tpu.memory_space<vmem_shared>> -> memref<1x128xf32, #tpu.memory_space<vmem_shared>>
    %dma_start3A_653 = tpu.memref_squeeze %dma_start3A_652 : memref<1x128xf32, #tpu.memory_space<vmem_shared>> -> memref<128xf32, #tpu.memory_space<vmem_shared>>
    tpu.enqueue_dma source(%dma_start3A_653 : memref<128xf32, #tpu.memory_space<vmem_shared>>) target(%dma_start3A_650 : memref<128xf32, #tpu.memory_space<hbm>>) target_semaphore(%arg12 : memref<!tpu.dma_semaphore, #tpu.memory_space<semaphore_mem>>)
    %mul3A_654 = arith.constant 32 : i32
    %mul3A_655 = arith.muli %arg1, %mul3A_654 : i32
    %add3A_656 = arith.constant 31 : i32
    %add3A_657 = arith.addi %mul3A_655, %add3A_656 : i32
    %mul3A_658 = arith.constant 128 : i32
    %mul3A_659 = arith.muli %add3A_657, %mul3A_658 : i32
    %dma_start3A_660 = arith.constant 0 : i32
    %dma_start3A_661 = tpu.memref_slice %arg4[%arg0, %dma_start3A_660] : memref<2x65536xf32, #tpu.memory_space<hbm>> -> memref<1x65536xf32, #tpu.memory_space<hbm>>
    %dma_start3A_662 = tpu.memref_squeeze %dma_start3A_661 : memref<1x65536xf32, #tpu.memory_space<hbm>> -> memref<65536xf32, #tpu.memory_space<hbm>>
    %dma_start3A_663 = tpu.memref_slice %dma_start3A_662[%mul3A_659] : memref<65536xf32, #tpu.memory_space<hbm>> -> memref<128xf32, #tpu.memory_space<hbm>>
    %dma_start3A_664 = arith.constant 0 : i32
    %dma_start3A_665 = tpu.memref_slice %arg11[%add3A_657, %dma_start3A_664] : memref<512x128xf32, #tpu.memory_space<vmem_shared>> -> memref<1x128xf32, #tpu.memory_space<vmem_shared>>
    %dma_start3A_666 = tpu.memref_squeeze %dma_start3A_665 : memref<1x128xf32, #tpu.memory_space<vmem_shared>> -> memref<128xf32, #tpu.memory_space<vmem_shared>>
    tpu.enqueue_dma source(%dma_start3A_666 : memref<128xf32, #tpu.memory_space<vmem_shared>>) target(%dma_start3A_663 : memref<128xf32, #tpu.memory_space<hbm>>) target_semaphore(%arg12 : memref<!tpu.dma_semaphore, #tpu.memory_space<semaphore_mem>>)
    %mul3A_667 = arith.constant 32 : i32
    %mul3A_668 = arith.muli %arg1, %mul3A_667 : i32
    %add3A_669 = arith.constant 0 : i32
    %add3A_670 = arith.addi %mul3A_668, %add3A_669 : i32
    %mul3A_671 = arith.constant 128 : i32
    %mul3A_672 = arith.muli %add3A_670, %mul3A_671 : i32
    %dma_wait3A = arith.constant 0 : i32
    %dma_wait3A_673 = tpu.memref_slice %arg4[%arg0, %dma_wait3A] : memref<2x65536xf32, #tpu.memory_space<hbm>> -> memref<1x65536xf32, #tpu.memory_space<hbm>>
    %dma_wait3A_674 = tpu.memref_squeeze %dma_wait3A_673 : memref<1x65536xf32, #tpu.memory_space<hbm>> -> memref<65536xf32, #tpu.memory_space<hbm>>
    %dma_wait3A_675 = tpu.memref_slice %dma_wait3A_674[%mul3A_672] : memref<65536xf32, #tpu.memory_space<hbm>> -> memref<128xf32, #tpu.memory_space<hbm>>
    %dma_wait3A_676 = arith.constant 0 : i32
    %dma_wait3A_677 = tpu.memref_slice %arg11[%add3A_670, %dma_wait3A_676] : memref<512x128xf32, #tpu.memory_space<vmem_shared>> -> memref<1x128xf32, #tpu.memory_space<vmem_shared>>
    %dma_wait3A_678 = tpu.memref_squeeze %dma_wait3A_677 : memref<1x128xf32, #tpu.memory_space<vmem_shared>> -> memref<128xf32, #tpu.memory_space<vmem_shared>>
    tpu.wait_dma2 semaphore(%arg12 : memref<!tpu.dma_semaphore, #tpu.memory_space<semaphore_mem>>) src(%dma_wait3A_678 : memref<128xf32, #tpu.memory_space<vmem_shared>>) dst(%dma_wait3A_675 : memref<128xf32, #tpu.memory_space<hbm>>)
    %mul3A_679 = arith.constant 32 : i32
    %mul3A_680 = arith.muli %arg1, %mul3A_679 : i32
    %add3A_681 = arith.constant 1 : i32
    %add3A_682 = arith.addi %mul3A_680, %add3A_681 : i32
    %mul3A_683 = arith.constant 128 : i32
    %mul3A_684 = arith.muli %add3A_682, %mul3A_683 : i32
    %dma_wait3A_685 = arith.constant 0 : i32
    %dma_wait3A_686 = tpu.memref_slice %arg4[%arg0, %dma_wait3A_685] : memref<2x65536xf32, #tpu.memory_space<hbm>> -> memref<1x65536xf32, #tpu.memory_space<hbm>>
    %dma_wait3A_687 = tpu.memref_squeeze %dma_wait3A_686 : memref<1x65536xf32, #tpu.memory_space<hbm>> -> memref<65536xf32, #tpu.memory_space<hbm>>
    %dma_wait3A_688 = tpu.memref_slice %dma_wait3A_687[%mul3A_684] : memref<65536xf32, #tpu.memory_space<hbm>> -> memref<128xf32, #tpu.memory_space<hbm>>
    %dma_wait3A_689 = arith.constant 0 : i32
    %dma_wait3A_690 = tpu.memref_slice %arg11[%add3A_682, %dma_wait3A_689] : memref<512x128xf32, #tpu.memory_space<vmem_shared>> -> memref<1x128xf32, #tpu.memory_space<vmem_shared>>
    %dma_wait3A_691 = tpu.memref_squeeze %dma_wait3A_690 : memref<1x128xf32, #tpu.memory_space<vmem_shared>> -> memref<128xf32, #tpu.memory_space<vmem_shared>>
    tpu.wait_dma2 semaphore(%arg12 : memref<!tpu.dma_semaphore, #tpu.memory_space<semaphore_mem>>) src(%dma_wait3A_691 : memref<128xf32, #tpu.memory_space<vmem_shared>>) dst(%dma_wait3A_688 : memref<128xf32, #tpu.memory_space<hbm>>)
    %mul3A_692 = arith.constant 32 : i32
    %mul3A_693 = arith.muli %arg1, %mul3A_692 : i32
    %add3A_694 = arith.constant 2 : i32
    %add3A_695 = arith.addi %mul3A_693, %add3A_694 : i32
    %mul3A_696 = arith.constant 128 : i32
    %mul3A_697 = arith.muli %add3A_695, %mul3A_696 : i32
    %dma_wait3A_698 = arith.constant 0 : i32
    %dma_wait3A_699 = tpu.memref_slice %arg4[%arg0, %dma_wait3A_698] : memref<2x65536xf32, #tpu.memory_space<hbm>> -> memref<1x65536xf32, #tpu.memory_space<hbm>>
    %dma_wait3A_700 = tpu.memref_squeeze %dma_wait3A_699 : memref<1x65536xf32, #tpu.memory_space<hbm>> -> memref<65536xf32, #tpu.memory_space<hbm>>
    %dma_wait3A_701 = tpu.memref_slice %dma_wait3A_700[%mul3A_697] : memref<65536xf32, #tpu.memory_space<hbm>> -> memref<128xf32, #tpu.memory_space<hbm>>
    %dma_wait3A_702 = arith.constant 0 : i32
    %dma_wait3A_703 = tpu.memref_slice %arg11[%add3A_695, %dma_wait3A_702] : memref<512x128xf32, #tpu.memory_space<vmem_shared>> -> memref<1x128xf32, #tpu.memory_space<vmem_shared>>
    %dma_wait3A_704 = tpu.memref_squeeze %dma_wait3A_703 : memref<1x128xf32, #tpu.memory_space<vmem_shared>> -> memref<128xf32, #tpu.memory_space<vmem_shared>>
    tpu.wait_dma2 semaphore(%arg12 : memref<!tpu.dma_semaphore, #tpu.memory_space<semaphore_mem>>) src(%dma_wait3A_704 : memref<128xf32, #tpu.memory_space<vmem_shared>>) dst(%dma_wait3A_701 : memref<128xf32, #tpu.memory_space<hbm>>)
    %mul3A_705 = arith.constant 32 : i32
    %mul3A_706 = arith.muli %arg1, %mul3A_705 : i32
    %add3A_707 = arith.constant 3 : i32
    %add3A_708 = arith.addi %mul3A_706, %add3A_707 : i32
    %mul3A_709 = arith.constant 128 : i32
    %mul3A_710 = arith.muli %add3A_708, %mul3A_709 : i32
    %dma_wait3A_711 = arith.constant 0 : i32
    %dma_wait3A_712 = tpu.memref_slice %arg4[%arg0, %dma_wait3A_711] : memref<2x65536xf32, #tpu.memory_space<hbm>> -> memref<1x65536xf32, #tpu.memory_space<hbm>>
    %dma_wait3A_713 = tpu.memref_squeeze %dma_wait3A_712 : memref<1x65536xf32, #tpu.memory_space<hbm>> -> memref<65536xf32, #tpu.memory_space<hbm>>
    %dma_wait3A_714 = tpu.memref_slice %dma_wait3A_713[%mul3A_710] : memref<65536xf32, #tpu.memory_space<hbm>> -> memref<128xf32, #tpu.memory_space<hbm>>
    %dma_wait3A_715 = arith.constant 0 : i32
    %dma_wait3A_716 = tpu.memref_slice %arg11[%add3A_708, %dma_wait3A_715] : memref<512x128xf32, #tpu.memory_space<vmem_shared>> -> memref<1x128xf32, #tpu.memory_space<vmem_shared>>
    %dma_wait3A_717 = tpu.memref_squeeze %dma_wait3A_716 : memref<1x128xf32, #tpu.memory_space<vmem_shared>> -> memref<128xf32, #tpu.memory_space<vmem_shared>>
    tpu.wait_dma2 semaphore(%arg12 : memref<!tpu.dma_semaphore, #tpu.memory_space<semaphore_mem>>) src(%dma_wait3A_717 : memref<128xf32, #tpu.memory_space<vmem_shared>>) dst(%dma_wait3A_714 : memref<128xf32, #tpu.memory_space<hbm>>)
    %mul3A_718 = arith.constant 32 : i32
    %mul3A_719 = arith.muli %arg1, %mul3A_718 : i32
    %add3A_720 = arith.constant 4 : i32
    %add3A_721 = arith.addi %mul3A_719, %add3A_720 : i32
    %mul3A_722 = arith.constant 128 : i32
    %mul3A_723 = arith.muli %add3A_721, %mul3A_722 : i32
    %dma_wait3A_724 = arith.constant 0 : i32
    %dma_wait3A_725 = tpu.memref_slice %arg4[%arg0, %dma_wait3A_724] : memref<2x65536xf32, #tpu.memory_space<hbm>> -> memref<1x65536xf32, #tpu.memory_space<hbm>>
    %dma_wait3A_726 = tpu.memref_squeeze %dma_wait3A_725 : memref<1x65536xf32, #tpu.memory_space<hbm>> -> memref<65536xf32, #tpu.memory_space<hbm>>
    %dma_wait3A_727 = tpu.memref_slice %dma_wait3A_726[%mul3A_723] : memref<65536xf32, #tpu.memory_space<hbm>> -> memref<128xf32, #tpu.memory_space<hbm>>
    %dma_wait3A_728 = arith.constant 0 : i32
    %dma_wait3A_729 = tpu.memref_slice %arg11[%add3A_721, %dma_wait3A_728] : memref<512x128xf32, #tpu.memory_space<vmem_shared>> -> memref<1x128xf32, #tpu.memory_space<vmem_shared>>
    %dma_wait3A_730 = tpu.memref_squeeze %dma_wait3A_729 : memref<1x128xf32, #tpu.memory_space<vmem_shared>> -> memref<128xf32, #tpu.memory_space<vmem_shared>>
    tpu.wait_dma2 semaphore(%arg12 : memref<!tpu.dma_semaphore, #tpu.memory_space<semaphore_mem>>) src(%dma_wait3A_730 : memref<128xf32, #tpu.memory_space<vmem_shared>>) dst(%dma_wait3A_727 : memref<128xf32, #tpu.memory_space<hbm>>)
    %mul3A_731 = arith.constant 32 : i32
    %mul3A_732 = arith.muli %arg1, %mul3A_731 : i32
    %add3A_733 = arith.constant 5 : i32
    %add3A_734 = arith.addi %mul3A_732, %add3A_733 : i32
    %mul3A_735 = arith.constant 128 : i32
    %mul3A_736 = arith.muli %add3A_734, %mul3A_735 : i32
    %dma_wait3A_737 = arith.constant 0 : i32
    %dma_wait3A_738 = tpu.memref_slice %arg4[%arg0, %dma_wait3A_737] : memref<2x65536xf32, #tpu.memory_space<hbm>> -> memref<1x65536xf32, #tpu.memory_space<hbm>>
    %dma_wait3A_739 = tpu.memref_squeeze %dma_wait3A_738 : memref<1x65536xf32, #tpu.memory_space<hbm>> -> memref<65536xf32, #tpu.memory_space<hbm>>
    %dma_wait3A_740 = tpu.memref_slice %dma_wait3A_739[%mul3A_736] : memref<65536xf32, #tpu.memory_space<hbm>> -> memref<128xf32, #tpu.memory_space<hbm>>
    %dma_wait3A_741 = arith.constant 0 : i32
    %dma_wait3A_742 = tpu.memref_slice %arg11[%add3A_734, %dma_wait3A_741] : memref<512x128xf32, #tpu.memory_space<vmem_shared>> -> memref<1x128xf32, #tpu.memory_space<vmem_shared>>
    %dma_wait3A_743 = tpu.memref_squeeze %dma_wait3A_742 : memref<1x128xf32, #tpu.memory_space<vmem_shared>> -> memref<128xf32, #tpu.memory_space<vmem_shared>>
    tpu.wait_dma2 semaphore(%arg12 : memref<!tpu.dma_semaphore, #tpu.memory_space<semaphore_mem>>) src(%dma_wait3A_743 : memref<128xf32, #tpu.memory_space<vmem_shared>>) dst(%dma_wait3A_740 : memref<128xf32, #tpu.memory_space<hbm>>)
    %mul3A_744 = arith.constant 32 : i32
    %mul3A_745 = arith.muli %arg1, %mul3A_744 : i32
    %add3A_746 = arith.constant 6 : i32
    %add3A_747 = arith.addi %mul3A_745, %add3A_746 : i32
    %mul3A_748 = arith.constant 128 : i32
    %mul3A_749 = arith.muli %add3A_747, %mul3A_748 : i32
    %dma_wait3A_750 = arith.constant 0 : i32
    %dma_wait3A_751 = tpu.memref_slice %arg4[%arg0, %dma_wait3A_750] : memref<2x65536xf32, #tpu.memory_space<hbm>> -> memref<1x65536xf32, #tpu.memory_space<hbm>>
    %dma_wait3A_752 = tpu.memref_squeeze %dma_wait3A_751 : memref<1x65536xf32, #tpu.memory_space<hbm>> -> memref<65536xf32, #tpu.memory_space<hbm>>
    %dma_wait3A_753 = tpu.memref_slice %dma_wait3A_752[%mul3A_749] : memref<65536xf32, #tpu.memory_space<hbm>> -> memref<128xf32, #tpu.memory_space<hbm>>
    %dma_wait3A_754 = arith.constant 0 : i32
    %dma_wait3A_755 = tpu.memref_slice %arg11[%add3A_747, %dma_wait3A_754] : memref<512x128xf32, #tpu.memory_space<vmem_shared>> -> memref<1x128xf32, #tpu.memory_space<vmem_shared>>
    %dma_wait3A_756 = tpu.memref_squeeze %dma_wait3A_755 : memref<1x128xf32, #tpu.memory_space<vmem_shared>> -> memref<128xf32, #tpu.memory_space<vmem_shared>>
    tpu.wait_dma2 semaphore(%arg12 : memref<!tpu.dma_semaphore, #tpu.memory_space<semaphore_mem>>) src(%dma_wait3A_756 : memref<128xf32, #tpu.memory_space<vmem_shared>>) dst(%dma_wait3A_753 : memref<128xf32, #tpu.memory_space<hbm>>)
    %mul3A_757 = arith.constant 32 : i32
    %mul3A_758 = arith.muli %arg1, %mul3A_757 : i32
    %add3A_759 = arith.constant 7 : i32
    %add3A_760 = arith.addi %mul3A_758, %add3A_759 : i32
    %mul3A_761 = arith.constant 128 : i32
    %mul3A_762 = arith.muli %add3A_760, %mul3A_761 : i32
    %dma_wait3A_763 = arith.constant 0 : i32
    %dma_wait3A_764 = tpu.memref_slice %arg4[%arg0, %dma_wait3A_763] : memref<2x65536xf32, #tpu.memory_space<hbm>> -> memref<1x65536xf32, #tpu.memory_space<hbm>>
    %dma_wait3A_765 = tpu.memref_squeeze %dma_wait3A_764 : memref<1x65536xf32, #tpu.memory_space<hbm>> -> memref<65536xf32, #tpu.memory_space<hbm>>
    %dma_wait3A_766 = tpu.memref_slice %dma_wait3A_765[%mul3A_762] : memref<65536xf32, #tpu.memory_space<hbm>> -> memref<128xf32, #tpu.memory_space<hbm>>
    %dma_wait3A_767 = arith.constant 0 : i32
    %dma_wait3A_768 = tpu.memref_slice %arg11[%add3A_760, %dma_wait3A_767] : memref<512x128xf32, #tpu.memory_space<vmem_shared>> -> memref<1x128xf32, #tpu.memory_space<vmem_shared>>
    %dma_wait3A_769 = tpu.memref_squeeze %dma_wait3A_768 : memref<1x128xf32, #tpu.memory_space<vmem_shared>> -> memref<128xf32, #tpu.memory_space<vmem_shared>>
    tpu.wait_dma2 semaphore(%arg12 : memref<!tpu.dma_semaphore, #tpu.memory_space<semaphore_mem>>) src(%dma_wait3A_769 : memref<128xf32, #tpu.memory_space<vmem_shared>>) dst(%dma_wait3A_766 : memref<128xf32, #tpu.memory_space<hbm>>)
    %mul3A_770 = arith.constant 32 : i32
    %mul3A_771 = arith.muli %arg1, %mul3A_770 : i32
    %add3A_772 = arith.constant 8 : i32
    %add3A_773 = arith.addi %mul3A_771, %add3A_772 : i32
    %mul3A_774 = arith.constant 128 : i32
    %mul3A_775 = arith.muli %add3A_773, %mul3A_774 : i32
    %dma_wait3A_776 = arith.constant 0 : i32
    %dma_wait3A_777 = tpu.memref_slice %arg4[%arg0, %dma_wait3A_776] : memref<2x65536xf32, #tpu.memory_space<hbm>> -> memref<1x65536xf32, #tpu.memory_space<hbm>>
    %dma_wait3A_778 = tpu.memref_squeeze %dma_wait3A_777 : memref<1x65536xf32, #tpu.memory_space<hbm>> -> memref<65536xf32, #tpu.memory_space<hbm>>
    %dma_wait3A_779 = tpu.memref_slice %dma_wait3A_778[%mul3A_775] : memref<65536xf32, #tpu.memory_space<hbm>> -> memref<128xf32, #tpu.memory_space<hbm>>
    %dma_wait3A_780 = arith.constant 0 : i32
    %dma_wait3A_781 = tpu.memref_slice %arg11[%add3A_773, %dma_wait3A_780] : memref<512x128xf32, #tpu.memory_space<vmem_shared>> -> memref<1x128xf32, #tpu.memory_space<vmem_shared>>
    %dma_wait3A_782 = tpu.memref_squeeze %dma_wait3A_781 : memref<1x128xf32, #tpu.memory_space<vmem_shared>> -> memref<128xf32, #tpu.memory_space<vmem_shared>>
    tpu.wait_dma2 semaphore(%arg12 : memref<!tpu.dma_semaphore, #tpu.memory_space<semaphore_mem>>) src(%dma_wait3A_782 : memref<128xf32, #tpu.memory_space<vmem_shared>>) dst(%dma_wait3A_779 : memref<128xf32, #tpu.memory_space<hbm>>)
    %mul3A_783 = arith.constant 32 : i32
    %mul3A_784 = arith.muli %arg1, %mul3A_783 : i32
    %add3A_785 = arith.constant 9 : i32
    %add3A_786 = arith.addi %mul3A_784, %add3A_785 : i32
    %mul3A_787 = arith.constant 128 : i32
    %mul3A_788 = arith.muli %add3A_786, %mul3A_787 : i32
    %dma_wait3A_789 = arith.constant 0 : i32
    %dma_wait3A_790 = tpu.memref_slice %arg4[%arg0, %dma_wait3A_789] : memref<2x65536xf32, #tpu.memory_space<hbm>> -> memref<1x65536xf32, #tpu.memory_space<hbm>>
    %dma_wait3A_791 = tpu.memref_squeeze %dma_wait3A_790 : memref<1x65536xf32, #tpu.memory_space<hbm>> -> memref<65536xf32, #tpu.memory_space<hbm>>
    %dma_wait3A_792 = tpu.memref_slice %dma_wait3A_791[%mul3A_788] : memref<65536xf32, #tpu.memory_space<hbm>> -> memref<128xf32, #tpu.memory_space<hbm>>
    %dma_wait3A_793 = arith.constant 0 : i32
    %dma_wait3A_794 = tpu.memref_slice %arg11[%add3A_786, %dma_wait3A_793] : memref<512x128xf32, #tpu.memory_space<vmem_shared>> -> memref<1x128xf32, #tpu.memory_space<vmem_shared>>
    %dma_wait3A_795 = tpu.memref_squeeze %dma_wait3A_794 : memref<1x128xf32, #tpu.memory_space<vmem_shared>> -> memref<128xf32, #tpu.memory_space<vmem_shared>>
    tpu.wait_dma2 semaphore(%arg12 : memref<!tpu.dma_semaphore, #tpu.memory_space<semaphore_mem>>) src(%dma_wait3A_795 : memref<128xf32, #tpu.memory_space<vmem_shared>>) dst(%dma_wait3A_792 : memref<128xf32, #tpu.memory_space<hbm>>)
    %mul3A_796 = arith.constant 32 : i32
    %mul3A_797 = arith.muli %arg1, %mul3A_796 : i32
    %add3A_798 = arith.constant 10 : i32
    %add3A_799 = arith.addi %mul3A_797, %add3A_798 : i32
    %mul3A_800 = arith.constant 128 : i32
    %mul3A_801 = arith.muli %add3A_799, %mul3A_800 : i32
    %dma_wait3A_802 = arith.constant 0 : i32
    %dma_wait3A_803 = tpu.memref_slice %arg4[%arg0, %dma_wait3A_802] : memref<2x65536xf32, #tpu.memory_space<hbm>> -> memref<1x65536xf32, #tpu.memory_space<hbm>>
    %dma_wait3A_804 = tpu.memref_squeeze %dma_wait3A_803 : memref<1x65536xf32, #tpu.memory_space<hbm>> -> memref<65536xf32, #tpu.memory_space<hbm>>
    %dma_wait3A_805 = tpu.memref_slice %dma_wait3A_804[%mul3A_801] : memref<65536xf32, #tpu.memory_space<hbm>> -> memref<128xf32, #tpu.memory_space<hbm>>
    %dma_wait3A_806 = arith.constant 0 : i32
    %dma_wait3A_807 = tpu.memref_slice %arg11[%add3A_799, %dma_wait3A_806] : memref<512x128xf32, #tpu.memory_space<vmem_shared>> -> memref<1x128xf32, #tpu.memory_space<vmem_shared>>
    %dma_wait3A_808 = tpu.memref_squeeze %dma_wait3A_807 : memref<1x128xf32, #tpu.memory_space<vmem_shared>> -> memref<128xf32, #tpu.memory_space<vmem_shared>>
    tpu.wait_dma2 semaphore(%arg12 : memref<!tpu.dma_semaphore, #tpu.memory_space<semaphore_mem>>) src(%dma_wait3A_808 : memref<128xf32, #tpu.memory_space<vmem_shared>>) dst(%dma_wait3A_805 : memref<128xf32, #tpu.memory_space<hbm>>)
    %mul3A_809 = arith.constant 32 : i32
    %mul3A_810 = arith.muli %arg1, %mul3A_809 : i32
    %add3A_811 = arith.constant 11 : i32
    %add3A_812 = arith.addi %mul3A_810, %add3A_811 : i32
    %mul3A_813 = arith.constant 128 : i32
    %mul3A_814 = arith.muli %add3A_812, %mul3A_813 : i32
    %dma_wait3A_815 = arith.constant 0 : i32
    %dma_wait3A_816 = tpu.memref_slice %arg4[%arg0, %dma_wait3A_815] : memref<2x65536xf32, #tpu.memory_space<hbm>> -> memref<1x65536xf32, #tpu.memory_space<hbm>>
    %dma_wait3A_817 = tpu.memref_squeeze %dma_wait3A_816 : memref<1x65536xf32, #tpu.memory_space<hbm>> -> memref<65536xf32, #tpu.memory_space<hbm>>
    %dma_wait3A_818 = tpu.memref_slice %dma_wait3A_817[%mul3A_814] : memref<65536xf32, #tpu.memory_space<hbm>> -> memref<128xf32, #tpu.memory_space<hbm>>
    %dma_wait3A_819 = arith.constant 0 : i32
    %dma_wait3A_820 = tpu.memref_slice %arg11[%add3A_812, %dma_wait3A_819] : memref<512x128xf32, #tpu.memory_space<vmem_shared>> -> memref<1x128xf32, #tpu.memory_space<vmem_shared>>
    %dma_wait3A_821 = tpu.memref_squeeze %dma_wait3A_820 : memref<1x128xf32, #tpu.memory_space<vmem_shared>> -> memref<128xf32, #tpu.memory_space<vmem_shared>>
    tpu.wait_dma2 semaphore(%arg12 : memref<!tpu.dma_semaphore, #tpu.memory_space<semaphore_mem>>) src(%dma_wait3A_821 : memref<128xf32, #tpu.memory_space<vmem_shared>>) dst(%dma_wait3A_818 : memref<128xf32, #tpu.memory_space<hbm>>)
    %mul3A_822 = arith.constant 32 : i32
    %mul3A_823 = arith.muli %arg1, %mul3A_822 : i32
    %add3A_824 = arith.constant 12 : i32
    %add3A_825 = arith.addi %mul3A_823, %add3A_824 : i32
    %mul3A_826 = arith.constant 128 : i32
    %mul3A_827 = arith.muli %add3A_825, %mul3A_826 : i32
    %dma_wait3A_828 = arith.constant 0 : i32
    %dma_wait3A_829 = tpu.memref_slice %arg4[%arg0, %dma_wait3A_828] : memref<2x65536xf32, #tpu.memory_space<hbm>> -> memref<1x65536xf32, #tpu.memory_space<hbm>>
    %dma_wait3A_830 = tpu.memref_squeeze %dma_wait3A_829 : memref<1x65536xf32, #tpu.memory_space<hbm>> -> memref<65536xf32, #tpu.memory_space<hbm>>
    %dma_wait3A_831 = tpu.memref_slice %dma_wait3A_830[%mul3A_827] : memref<65536xf32, #tpu.memory_space<hbm>> -> memref<128xf32, #tpu.memory_space<hbm>>
    %dma_wait3A_832 = arith.constant 0 : i32
    %dma_wait3A_833 = tpu.memref_slice %arg11[%add3A_825, %dma_wait3A_832] : memref<512x128xf32, #tpu.memory_space<vmem_shared>> -> memref<1x128xf32, #tpu.memory_space<vmem_shared>>
    %dma_wait3A_834 = tpu.memref_squeeze %dma_wait3A_833 : memref<1x128xf32, #tpu.memory_space<vmem_shared>> -> memref<128xf32, #tpu.memory_space<vmem_shared>>
    tpu.wait_dma2 semaphore(%arg12 : memref<!tpu.dma_semaphore, #tpu.memory_space<semaphore_mem>>) src(%dma_wait3A_834 : memref<128xf32, #tpu.memory_space<vmem_shared>>) dst(%dma_wait3A_831 : memref<128xf32, #tpu.memory_space<hbm>>)
    %mul3A_835 = arith.constant 32 : i32
    %mul3A_836 = arith.muli %arg1, %mul3A_835 : i32
    %add3A_837 = arith.constant 13 : i32
    %add3A_838 = arith.addi %mul3A_836, %add3A_837 : i32
    %mul3A_839 = arith.constant 128 : i32
    %mul3A_840 = arith.muli %add3A_838, %mul3A_839 : i32
    %dma_wait3A_841 = arith.constant 0 : i32
    %dma_wait3A_842 = tpu.memref_slice %arg4[%arg0, %dma_wait3A_841] : memref<2x65536xf32, #tpu.memory_space<hbm>> -> memref<1x65536xf32, #tpu.memory_space<hbm>>
    %dma_wait3A_843 = tpu.memref_squeeze %dma_wait3A_842 : memref<1x65536xf32, #tpu.memory_space<hbm>> -> memref<65536xf32, #tpu.memory_space<hbm>>
    %dma_wait3A_844 = tpu.memref_slice %dma_wait3A_843[%mul3A_840] : memref<65536xf32, #tpu.memory_space<hbm>> -> memref<128xf32, #tpu.memory_space<hbm>>
    %dma_wait3A_845 = arith.constant 0 : i32
    %dma_wait3A_846 = tpu.memref_slice %arg11[%add3A_838, %dma_wait3A_845] : memref<512x128xf32, #tpu.memory_space<vmem_shared>> -> memref<1x128xf32, #tpu.memory_space<vmem_shared>>
    %dma_wait3A_847 = tpu.memref_squeeze %dma_wait3A_846 : memref<1x128xf32, #tpu.memory_space<vmem_shared>> -> memref<128xf32, #tpu.memory_space<vmem_shared>>
    tpu.wait_dma2 semaphore(%arg12 : memref<!tpu.dma_semaphore, #tpu.memory_space<semaphore_mem>>) src(%dma_wait3A_847 : memref<128xf32, #tpu.memory_space<vmem_shared>>) dst(%dma_wait3A_844 : memref<128xf32, #tpu.memory_space<hbm>>)
    %mul3A_848 = arith.constant 32 : i32
    %mul3A_849 = arith.muli %arg1, %mul3A_848 : i32
    %add3A_850 = arith.constant 14 : i32
    %add3A_851 = arith.addi %mul3A_849, %add3A_850 : i32
    %mul3A_852 = arith.constant 128 : i32
    %mul3A_853 = arith.muli %add3A_851, %mul3A_852 : i32
    %dma_wait3A_854 = arith.constant 0 : i32
    %dma_wait3A_855 = tpu.memref_slice %arg4[%arg0, %dma_wait3A_854] : memref<2x65536xf32, #tpu.memory_space<hbm>> -> memref<1x65536xf32, #tpu.memory_space<hbm>>
    %dma_wait3A_856 = tpu.memref_squeeze %dma_wait3A_855 : memref<1x65536xf32, #tpu.memory_space<hbm>> -> memref<65536xf32, #tpu.memory_space<hbm>>
    %dma_wait3A_857 = tpu.memref_slice %dma_wait3A_856[%mul3A_853] : memref<65536xf32, #tpu.memory_space<hbm>> -> memref<128xf32, #tpu.memory_space<hbm>>
    %dma_wait3A_858 = arith.constant 0 : i32
    %dma_wait3A_859 = tpu.memref_slice %arg11[%add3A_851, %dma_wait3A_858] : memref<512x128xf32, #tpu.memory_space<vmem_shared>> -> memref<1x128xf32, #tpu.memory_space<vmem_shared>>
    %dma_wait3A_860 = tpu.memref_squeeze %dma_wait3A_859 : memref<1x128xf32, #tpu.memory_space<vmem_shared>> -> memref<128xf32, #tpu.memory_space<vmem_shared>>
    tpu.wait_dma2 semaphore(%arg12 : memref<!tpu.dma_semaphore, #tpu.memory_space<semaphore_mem>>) src(%dma_wait3A_860 : memref<128xf32, #tpu.memory_space<vmem_shared>>) dst(%dma_wait3A_857 : memref<128xf32, #tpu.memory_space<hbm>>)
    %mul3A_861 = arith.constant 32 : i32
    %mul3A_862 = arith.muli %arg1, %mul3A_861 : i32
    %add3A_863 = arith.constant 15 : i32
    %add3A_864 = arith.addi %mul3A_862, %add3A_863 : i32
    %mul3A_865 = arith.constant 128 : i32
    %mul3A_866 = arith.muli %add3A_864, %mul3A_865 : i32
    %dma_wait3A_867 = arith.constant 0 : i32
    %dma_wait3A_868 = tpu.memref_slice %arg4[%arg0, %dma_wait3A_867] : memref<2x65536xf32, #tpu.memory_space<hbm>> -> memref<1x65536xf32, #tpu.memory_space<hbm>>
    %dma_wait3A_869 = tpu.memref_squeeze %dma_wait3A_868 : memref<1x65536xf32, #tpu.memory_space<hbm>> -> memref<65536xf32, #tpu.memory_space<hbm>>
    %dma_wait3A_870 = tpu.memref_slice %dma_wait3A_869[%mul3A_866] : memref<65536xf32, #tpu.memory_space<hbm>> -> memref<128xf32, #tpu.memory_space<hbm>>
    %dma_wait3A_871 = arith.constant 0 : i32
    %dma_wait3A_872 = tpu.memref_slice %arg11[%add3A_864, %dma_wait3A_871] : memref<512x128xf32, #tpu.memory_space<vmem_shared>> -> memref<1x128xf32, #tpu.memory_space<vmem_shared>>
    %dma_wait3A_873 = tpu.memref_squeeze %dma_wait3A_872 : memref<1x128xf32, #tpu.memory_space<vmem_shared>> -> memref<128xf32, #tpu.memory_space<vmem_shared>>
    tpu.wait_dma2 semaphore(%arg12 : memref<!tpu.dma_semaphore, #tpu.memory_space<semaphore_mem>>) src(%dma_wait3A_873 : memref<128xf32, #tpu.memory_space<vmem_shared>>) dst(%dma_wait3A_870 : memref<128xf32, #tpu.memory_space<hbm>>)
    %mul3A_874 = arith.constant 32 : i32
    %mul3A_875 = arith.muli %arg1, %mul3A_874 : i32
    %add3A_876 = arith.constant 16 : i32
    %add3A_877 = arith.addi %mul3A_875, %add3A_876 : i32
    %mul3A_878 = arith.constant 128 : i32
    %mul3A_879 = arith.muli %add3A_877, %mul3A_878 : i32
    %dma_wait3A_880 = arith.constant 0 : i32
    %dma_wait3A_881 = tpu.memref_slice %arg4[%arg0, %dma_wait3A_880] : memref<2x65536xf32, #tpu.memory_space<hbm>> -> memref<1x65536xf32, #tpu.memory_space<hbm>>
    %dma_wait3A_882 = tpu.memref_squeeze %dma_wait3A_881 : memref<1x65536xf32, #tpu.memory_space<hbm>> -> memref<65536xf32, #tpu.memory_space<hbm>>
    %dma_wait3A_883 = tpu.memref_slice %dma_wait3A_882[%mul3A_879] : memref<65536xf32, #tpu.memory_space<hbm>> -> memref<128xf32, #tpu.memory_space<hbm>>
    %dma_wait3A_884 = arith.constant 0 : i32
    %dma_wait3A_885 = tpu.memref_slice %arg11[%add3A_877, %dma_wait3A_884] : memref<512x128xf32, #tpu.memory_space<vmem_shared>> -> memref<1x128xf32, #tpu.memory_space<vmem_shared>>
    %dma_wait3A_886 = tpu.memref_squeeze %dma_wait3A_885 : memref<1x128xf32, #tpu.memory_space<vmem_shared>> -> memref<128xf32, #tpu.memory_space<vmem_shared>>
    tpu.wait_dma2 semaphore(%arg12 : memref<!tpu.dma_semaphore, #tpu.memory_space<semaphore_mem>>) src(%dma_wait3A_886 : memref<128xf32, #tpu.memory_space<vmem_shared>>) dst(%dma_wait3A_883 : memref<128xf32, #tpu.memory_space<hbm>>)
    %mul3A_887 = arith.constant 32 : i32
    %mul3A_888 = arith.muli %arg1, %mul3A_887 : i32
    %add3A_889 = arith.constant 17 : i32
    %add3A_890 = arith.addi %mul3A_888, %add3A_889 : i32
    %mul3A_891 = arith.constant 128 : i32
    %mul3A_892 = arith.muli %add3A_890, %mul3A_891 : i32
    %dma_wait3A_893 = arith.constant 0 : i32
    %dma_wait3A_894 = tpu.memref_slice %arg4[%arg0, %dma_wait3A_893] : memref<2x65536xf32, #tpu.memory_space<hbm>> -> memref<1x65536xf32, #tpu.memory_space<hbm>>
    %dma_wait3A_895 = tpu.memref_squeeze %dma_wait3A_894 : memref<1x65536xf32, #tpu.memory_space<hbm>> -> memref<65536xf32, #tpu.memory_space<hbm>>
    %dma_wait3A_896 = tpu.memref_slice %dma_wait3A_895[%mul3A_892] : memref<65536xf32, #tpu.memory_space<hbm>> -> memref<128xf32, #tpu.memory_space<hbm>>
    %dma_wait3A_897 = arith.constant 0 : i32
    %dma_wait3A_898 = tpu.memref_slice %arg11[%add3A_890, %dma_wait3A_897] : memref<512x128xf32, #tpu.memory_space<vmem_shared>> -> memref<1x128xf32, #tpu.memory_space<vmem_shared>>
    %dma_wait3A_899 = tpu.memref_squeeze %dma_wait3A_898 : memref<1x128xf32, #tpu.memory_space<vmem_shared>> -> memref<128xf32, #tpu.memory_space<vmem_shared>>
    tpu.wait_dma2 semaphore(%arg12 : memref<!tpu.dma_semaphore, #tpu.memory_space<semaphore_mem>>) src(%dma_wait3A_899 : memref<128xf32, #tpu.memory_space<vmem_shared>>) dst(%dma_wait3A_896 : memref<128xf32, #tpu.memory_space<hbm>>)
    %mul3A_900 = arith.constant 32 : i32
    %mul3A_901 = arith.muli %arg1, %mul3A_900 : i32
    %add3A_902 = arith.constant 18 : i32
    %add3A_903 = arith.addi %mul3A_901, %add3A_902 : i32
    %mul3A_904 = arith.constant 128 : i32
    %mul3A_905 = arith.muli %add3A_903, %mul3A_904 : i32
    %dma_wait3A_906 = arith.constant 0 : i32
    %dma_wait3A_907 = tpu.memref_slice %arg4[%arg0, %dma_wait3A_906] : memref<2x65536xf32, #tpu.memory_space<hbm>> -> memref<1x65536xf32, #tpu.memory_space<hbm>>
    %dma_wait3A_908 = tpu.memref_squeeze %dma_wait3A_907 : memref<1x65536xf32, #tpu.memory_space<hbm>> -> memref<65536xf32, #tpu.memory_space<hbm>>
    %dma_wait3A_909 = tpu.memref_slice %dma_wait3A_908[%mul3A_905] : memref<65536xf32, #tpu.memory_space<hbm>> -> memref<128xf32, #tpu.memory_space<hbm>>
    %dma_wait3A_910 = arith.constant 0 : i32
    %dma_wait3A_911 = tpu.memref_slice %arg11[%add3A_903, %dma_wait3A_910] : memref<512x128xf32, #tpu.memory_space<vmem_shared>> -> memref<1x128xf32, #tpu.memory_space<vmem_shared>>
    %dma_wait3A_912 = tpu.memref_squeeze %dma_wait3A_911 : memref<1x128xf32, #tpu.memory_space<vmem_shared>> -> memref<128xf32, #tpu.memory_space<vmem_shared>>
    tpu.wait_dma2 semaphore(%arg12 : memref<!tpu.dma_semaphore, #tpu.memory_space<semaphore_mem>>) src(%dma_wait3A_912 : memref<128xf32, #tpu.memory_space<vmem_shared>>) dst(%dma_wait3A_909 : memref<128xf32, #tpu.memory_space<hbm>>)
    %mul3A_913 = arith.constant 32 : i32
    %mul3A_914 = arith.muli %arg1, %mul3A_913 : i32
    %add3A_915 = arith.constant 19 : i32
    %add3A_916 = arith.addi %mul3A_914, %add3A_915 : i32
    %mul3A_917 = arith.constant 128 : i32
    %mul3A_918 = arith.muli %add3A_916, %mul3A_917 : i32
    %dma_wait3A_919 = arith.constant 0 : i32
    %dma_wait3A_920 = tpu.memref_slice %arg4[%arg0, %dma_wait3A_919] : memref<2x65536xf32, #tpu.memory_space<hbm>> -> memref<1x65536xf32, #tpu.memory_space<hbm>>
    %dma_wait3A_921 = tpu.memref_squeeze %dma_wait3A_920 : memref<1x65536xf32, #tpu.memory_space<hbm>> -> memref<65536xf32, #tpu.memory_space<hbm>>
    %dma_wait3A_922 = tpu.memref_slice %dma_wait3A_921[%mul3A_918] : memref<65536xf32, #tpu.memory_space<hbm>> -> memref<128xf32, #tpu.memory_space<hbm>>
    %dma_wait3A_923 = arith.constant 0 : i32
    %dma_wait3A_924 = tpu.memref_slice %arg11[%add3A_916, %dma_wait3A_923] : memref<512x128xf32, #tpu.memory_space<vmem_shared>> -> memref<1x128xf32, #tpu.memory_space<vmem_shared>>
    %dma_wait3A_925 = tpu.memref_squeeze %dma_wait3A_924 : memref<1x128xf32, #tpu.memory_space<vmem_shared>> -> memref<128xf32, #tpu.memory_space<vmem_shared>>
    tpu.wait_dma2 semaphore(%arg12 : memref<!tpu.dma_semaphore, #tpu.memory_space<semaphore_mem>>) src(%dma_wait3A_925 : memref<128xf32, #tpu.memory_space<vmem_shared>>) dst(%dma_wait3A_922 : memref<128xf32, #tpu.memory_space<hbm>>)
    %mul3A_926 = arith.constant 32 : i32
    %mul3A_927 = arith.muli %arg1, %mul3A_926 : i32
    %add3A_928 = arith.constant 20 : i32
    %add3A_929 = arith.addi %mul3A_927, %add3A_928 : i32
    %mul3A_930 = arith.constant 128 : i32
    %mul3A_931 = arith.muli %add3A_929, %mul3A_930 : i32
    %dma_wait3A_932 = arith.constant 0 : i32
    %dma_wait3A_933 = tpu.memref_slice %arg4[%arg0, %dma_wait3A_932] : memref<2x65536xf32, #tpu.memory_space<hbm>> -> memref<1x65536xf32, #tpu.memory_space<hbm>>
    %dma_wait3A_934 = tpu.memref_squeeze %dma_wait3A_933 : memref<1x65536xf32, #tpu.memory_space<hbm>> -> memref<65536xf32, #tpu.memory_space<hbm>>
    %dma_wait3A_935 = tpu.memref_slice %dma_wait3A_934[%mul3A_931] : memref<65536xf32, #tpu.memory_space<hbm>> -> memref<128xf32, #tpu.memory_space<hbm>>
    %dma_wait3A_936 = arith.constant 0 : i32
    %dma_wait3A_937 = tpu.memref_slice %arg11[%add3A_929, %dma_wait3A_936] : memref<512x128xf32, #tpu.memory_space<vmem_shared>> -> memref<1x128xf32, #tpu.memory_space<vmem_shared>>
    %dma_wait3A_938 = tpu.memref_squeeze %dma_wait3A_937 : memref<1x128xf32, #tpu.memory_space<vmem_shared>> -> memref<128xf32, #tpu.memory_space<vmem_shared>>
    tpu.wait_dma2 semaphore(%arg12 : memref<!tpu.dma_semaphore, #tpu.memory_space<semaphore_mem>>) src(%dma_wait3A_938 : memref<128xf32, #tpu.memory_space<vmem_shared>>) dst(%dma_wait3A_935 : memref<128xf32, #tpu.memory_space<hbm>>)
    %mul3A_939 = arith.constant 32 : i32
    %mul3A_940 = arith.muli %arg1, %mul3A_939 : i32
    %add3A_941 = arith.constant 21 : i32
    %add3A_942 = arith.addi %mul3A_940, %add3A_941 : i32
    %mul3A_943 = arith.constant 128 : i32
    %mul3A_944 = arith.muli %add3A_942, %mul3A_943 : i32
    %dma_wait3A_945 = arith.constant 0 : i32
    %dma_wait3A_946 = tpu.memref_slice %arg4[%arg0, %dma_wait3A_945] : memref<2x65536xf32, #tpu.memory_space<hbm>> -> memref<1x65536xf32, #tpu.memory_space<hbm>>
    %dma_wait3A_947 = tpu.memref_squeeze %dma_wait3A_946 : memref<1x65536xf32, #tpu.memory_space<hbm>> -> memref<65536xf32, #tpu.memory_space<hbm>>
    %dma_wait3A_948 = tpu.memref_slice %dma_wait3A_947[%mul3A_944] : memref<65536xf32, #tpu.memory_space<hbm>> -> memref<128xf32, #tpu.memory_space<hbm>>
    %dma_wait3A_949 = arith.constant 0 : i32
    %dma_wait3A_950 = tpu.memref_slice %arg11[%add3A_942, %dma_wait3A_949] : memref<512x128xf32, #tpu.memory_space<vmem_shared>> -> memref<1x128xf32, #tpu.memory_space<vmem_shared>>
    %dma_wait3A_951 = tpu.memref_squeeze %dma_wait3A_950 : memref<1x128xf32, #tpu.memory_space<vmem_shared>> -> memref<128xf32, #tpu.memory_space<vmem_shared>>
    tpu.wait_dma2 semaphore(%arg12 : memref<!tpu.dma_semaphore, #tpu.memory_space<semaphore_mem>>) src(%dma_wait3A_951 : memref<128xf32, #tpu.memory_space<vmem_shared>>) dst(%dma_wait3A_948 : memref<128xf32, #tpu.memory_space<hbm>>)
    %mul3A_952 = arith.constant 32 : i32
    %mul3A_953 = arith.muli %arg1, %mul3A_952 : i32
    %add3A_954 = arith.constant 22 : i32
    %add3A_955 = arith.addi %mul3A_953, %add3A_954 : i32
    %mul3A_956 = arith.constant 128 : i32
    %mul3A_957 = arith.muli %add3A_955, %mul3A_956 : i32
    %dma_wait3A_958 = arith.constant 0 : i32
    %dma_wait3A_959 = tpu.memref_slice %arg4[%arg0, %dma_wait3A_958] : memref<2x65536xf32, #tpu.memory_space<hbm>> -> memref<1x65536xf32, #tpu.memory_space<hbm>>
    %dma_wait3A_960 = tpu.memref_squeeze %dma_wait3A_959 : memref<1x65536xf32, #tpu.memory_space<hbm>> -> memref<65536xf32, #tpu.memory_space<hbm>>
    %dma_wait3A_961 = tpu.memref_slice %dma_wait3A_960[%mul3A_957] : memref<65536xf32, #tpu.memory_space<hbm>> -> memref<128xf32, #tpu.memory_space<hbm>>
    %dma_wait3A_962 = arith.constant 0 : i32
    %dma_wait3A_963 = tpu.memref_slice %arg11[%add3A_955, %dma_wait3A_962] : memref<512x128xf32, #tpu.memory_space<vmem_shared>> -> memref<1x128xf32, #tpu.memory_space<vmem_shared>>
    %dma_wait3A_964 = tpu.memref_squeeze %dma_wait3A_963 : memref<1x128xf32, #tpu.memory_space<vmem_shared>> -> memref<128xf32, #tpu.memory_space<vmem_shared>>
    tpu.wait_dma2 semaphore(%arg12 : memref<!tpu.dma_semaphore, #tpu.memory_space<semaphore_mem>>) src(%dma_wait3A_964 : memref<128xf32, #tpu.memory_space<vmem_shared>>) dst(%dma_wait3A_961 : memref<128xf32, #tpu.memory_space<hbm>>)
    %mul3A_965 = arith.constant 32 : i32
    %mul3A_966 = arith.muli %arg1, %mul3A_965 : i32
    %add3A_967 = arith.constant 23 : i32
    %add3A_968 = arith.addi %mul3A_966, %add3A_967 : i32
    %mul3A_969 = arith.constant 128 : i32
    %mul3A_970 = arith.muli %add3A_968, %mul3A_969 : i32
    %dma_wait3A_971 = arith.constant 0 : i32
    %dma_wait3A_972 = tpu.memref_slice %arg4[%arg0, %dma_wait3A_971] : memref<2x65536xf32, #tpu.memory_space<hbm>> -> memref<1x65536xf32, #tpu.memory_space<hbm>>
    %dma_wait3A_973 = tpu.memref_squeeze %dma_wait3A_972 : memref<1x65536xf32, #tpu.memory_space<hbm>> -> memref<65536xf32, #tpu.memory_space<hbm>>
    %dma_wait3A_974 = tpu.memref_slice %dma_wait3A_973[%mul3A_970] : memref<65536xf32, #tpu.memory_space<hbm>> -> memref<128xf32, #tpu.memory_space<hbm>>
    %dma_wait3A_975 = arith.constant 0 : i32
    %dma_wait3A_976 = tpu.memref_slice %arg11[%add3A_968, %dma_wait3A_975] : memref<512x128xf32, #tpu.memory_space<vmem_shared>> -> memref<1x128xf32, #tpu.memory_space<vmem_shared>>
    %dma_wait3A_977 = tpu.memref_squeeze %dma_wait3A_976 : memref<1x128xf32, #tpu.memory_space<vmem_shared>> -> memref<128xf32, #tpu.memory_space<vmem_shared>>
    tpu.wait_dma2 semaphore(%arg12 : memref<!tpu.dma_semaphore, #tpu.memory_space<semaphore_mem>>) src(%dma_wait3A_977 : memref<128xf32, #tpu.memory_space<vmem_shared>>) dst(%dma_wait3A_974 : memref<128xf32, #tpu.memory_space<hbm>>)
    %mul3A_978 = arith.constant 32 : i32
    %mul3A_979 = arith.muli %arg1, %mul3A_978 : i32
    %add3A_980 = arith.constant 24 : i32
    %add3A_981 = arith.addi %mul3A_979, %add3A_980 : i32
    %mul3A_982 = arith.constant 128 : i32
    %mul3A_983 = arith.muli %add3A_981, %mul3A_982 : i32
    %dma_wait3A_984 = arith.constant 0 : i32
    %dma_wait3A_985 = tpu.memref_slice %arg4[%arg0, %dma_wait3A_984] : memref<2x65536xf32, #tpu.memory_space<hbm>> -> memref<1x65536xf32, #tpu.memory_space<hbm>>
    %dma_wait3A_986 = tpu.memref_squeeze %dma_wait3A_985 : memref<1x65536xf32, #tpu.memory_space<hbm>> -> memref<65536xf32, #tpu.memory_space<hbm>>
    %dma_wait3A_987 = tpu.memref_slice %dma_wait3A_986[%mul3A_983] : memref<65536xf32, #tpu.memory_space<hbm>> -> memref<128xf32, #tpu.memory_space<hbm>>
    %dma_wait3A_988 = arith.constant 0 : i32
    %dma_wait3A_989 = tpu.memref_slice %arg11[%add3A_981, %dma_wait3A_988] : memref<512x128xf32, #tpu.memory_space<vmem_shared>> -> memref<1x128xf32, #tpu.memory_space<vmem_shared>>
    %dma_wait3A_990 = tpu.memref_squeeze %dma_wait3A_989 : memref<1x128xf32, #tpu.memory_space<vmem_shared>> -> memref<128xf32, #tpu.memory_space<vmem_shared>>
    tpu.wait_dma2 semaphore(%arg12 : memref<!tpu.dma_semaphore, #tpu.memory_space<semaphore_mem>>) src(%dma_wait3A_990 : memref<128xf32, #tpu.memory_space<vmem_shared>>) dst(%dma_wait3A_987 : memref<128xf32, #tpu.memory_space<hbm>>)
    %mul3A_991 = arith.constant 32 : i32
    %mul3A_992 = arith.muli %arg1, %mul3A_991 : i32
    %add3A_993 = arith.constant 25 : i32
    %add3A_994 = arith.addi %mul3A_992, %add3A_993 : i32
    %mul3A_995 = arith.constant 128 : i32
    %mul3A_996 = arith.muli %add3A_994, %mul3A_995 : i32
    %dma_wait3A_997 = arith.constant 0 : i32
    %dma_wait3A_998 = tpu.memref_slice %arg4[%arg0, %dma_wait3A_997] : memref<2x65536xf32, #tpu.memory_space<hbm>> -> memref<1x65536xf32, #tpu.memory_space<hbm>>
    %dma_wait3A_999 = tpu.memref_squeeze %dma_wait3A_998 : memref<1x65536xf32, #tpu.memory_space<hbm>> -> memref<65536xf32, #tpu.memory_space<hbm>>
    %dma_wait3A_1000 = tpu.memref_slice %dma_wait3A_999[%mul3A_996] : memref<65536xf32, #tpu.memory_space<hbm>> -> memref<128xf32, #tpu.memory_space<hbm>>
    %dma_wait3A_1001 = arith.constant 0 : i32
    %dma_wait3A_1002 = tpu.memref_slice %arg11[%add3A_994, %dma_wait3A_1001] : memref<512x128xf32, #tpu.memory_space<vmem_shared>> -> memref<1x128xf32, #tpu.memory_space<vmem_shared>>
    %dma_wait3A_1003 = tpu.memref_squeeze %dma_wait3A_1002 : memref<1x128xf32, #tpu.memory_space<vmem_shared>> -> memref<128xf32, #tpu.memory_space<vmem_shared>>
    tpu.wait_dma2 semaphore(%arg12 : memref<!tpu.dma_semaphore, #tpu.memory_space<semaphore_mem>>) src(%dma_wait3A_1003 : memref<128xf32, #tpu.memory_space<vmem_shared>>) dst(%dma_wait3A_1000 : memref<128xf32, #tpu.memory_space<hbm>>)
    %mul3A_1004 = arith.constant 32 : i32
    %mul3A_1005 = arith.muli %arg1, %mul3A_1004 : i32
    %add3A_1006 = arith.constant 26 : i32
    %add3A_1007 = arith.addi %mul3A_1005, %add3A_1006 : i32
    %mul3A_1008 = arith.constant 128 : i32
    %mul3A_1009 = arith.muli %add3A_1007, %mul3A_1008 : i32
    %dma_wait3A_1010 = arith.constant 0 : i32
    %dma_wait3A_1011 = tpu.memref_slice %arg4[%arg0, %dma_wait3A_1010] : memref<2x65536xf32, #tpu.memory_space<hbm>> -> memref<1x65536xf32, #tpu.memory_space<hbm>>
    %dma_wait3A_1012 = tpu.memref_squeeze %dma_wait3A_1011 : memref<1x65536xf32, #tpu.memory_space<hbm>> -> memref<65536xf32, #tpu.memory_space<hbm>>
    %dma_wait3A_1013 = tpu.memref_slice %dma_wait3A_1012[%mul3A_1009] : memref<65536xf32, #tpu.memory_space<hbm>> -> memref<128xf32, #tpu.memory_space<hbm>>
    %dma_wait3A_1014 = arith.constant 0 : i32
    %dma_wait3A_1015 = tpu.memref_slice %arg11[%add3A_1007, %dma_wait3A_1014] : memref<512x128xf32, #tpu.memory_space<vmem_shared>> -> memref<1x128xf32, #tpu.memory_space<vmem_shared>>
    %dma_wait3A_1016 = tpu.memref_squeeze %dma_wait3A_1015 : memref<1x128xf32, #tpu.memory_space<vmem_shared>> -> memref<128xf32, #tpu.memory_space<vmem_shared>>
    tpu.wait_dma2 semaphore(%arg12 : memref<!tpu.dma_semaphore, #tpu.memory_space<semaphore_mem>>) src(%dma_wait3A_1016 : memref<128xf32, #tpu.memory_space<vmem_shared>>) dst(%dma_wait3A_1013 : memref<128xf32, #tpu.memory_space<hbm>>)
    %mul3A_1017 = arith.constant 32 : i32
    %mul3A_1018 = arith.muli %arg1, %mul3A_1017 : i32
    %add3A_1019 = arith.constant 27 : i32
    %add3A_1020 = arith.addi %mul3A_1018, %add3A_1019 : i32
    %mul3A_1021 = arith.constant 128 : i32
    %mul3A_1022 = arith.muli %add3A_1020, %mul3A_1021 : i32
    %dma_wait3A_1023 = arith.constant 0 : i32
    %dma_wait3A_1024 = tpu.memref_slice %arg4[%arg0, %dma_wait3A_1023] : memref<2x65536xf32, #tpu.memory_space<hbm>> -> memref<1x65536xf32, #tpu.memory_space<hbm>>
    %dma_wait3A_1025 = tpu.memref_squeeze %dma_wait3A_1024 : memref<1x65536xf32, #tpu.memory_space<hbm>> -> memref<65536xf32, #tpu.memory_space<hbm>>
    %dma_wait3A_1026 = tpu.memref_slice %dma_wait3A_1025[%mul3A_1022] : memref<65536xf32, #tpu.memory_space<hbm>> -> memref<128xf32, #tpu.memory_space<hbm>>
    %dma_wait3A_1027 = arith.constant 0 : i32
    %dma_wait3A_1028 = tpu.memref_slice %arg11[%add3A_1020, %dma_wait3A_1027] : memref<512x128xf32, #tpu.memory_space<vmem_shared>> -> memref<1x128xf32, #tpu.memory_space<vmem_shared>>
    %dma_wait3A_1029 = tpu.memref_squeeze %dma_wait3A_1028 : memref<1x128xf32, #tpu.memory_space<vmem_shared>> -> memref<128xf32, #tpu.memory_space<vmem_shared>>
    tpu.wait_dma2 semaphore(%arg12 : memref<!tpu.dma_semaphore, #tpu.memory_space<semaphore_mem>>) src(%dma_wait3A_1029 : memref<128xf32, #tpu.memory_space<vmem_shared>>) dst(%dma_wait3A_1026 : memref<128xf32, #tpu.memory_space<hbm>>)
    %mul3A_1030 = arith.constant 32 : i32
    %mul3A_1031 = arith.muli %arg1, %mul3A_1030 : i32
    %add3A_1032 = arith.constant 28 : i32
    %add3A_1033 = arith.addi %mul3A_1031, %add3A_1032 : i32
    %mul3A_1034 = arith.constant 128 : i32
    %mul3A_1035 = arith.muli %add3A_1033, %mul3A_1034 : i32
    %dma_wait3A_1036 = arith.constant 0 : i32
    %dma_wait3A_1037 = tpu.memref_slice %arg4[%arg0, %dma_wait3A_1036] : memref<2x65536xf32, #tpu.memory_space<hbm>> -> memref<1x65536xf32, #tpu.memory_space<hbm>>
    %dma_wait3A_1038 = tpu.memref_squeeze %dma_wait3A_1037 : memref<1x65536xf32, #tpu.memory_space<hbm>> -> memref<65536xf32, #tpu.memory_space<hbm>>
    %dma_wait3A_1039 = tpu.memref_slice %dma_wait3A_1038[%mul3A_1035] : memref<65536xf32, #tpu.memory_space<hbm>> -> memref<128xf32, #tpu.memory_space<hbm>>
    %dma_wait3A_1040 = arith.constant 0 : i32
    %dma_wait3A_1041 = tpu.memref_slice %arg11[%add3A_1033, %dma_wait3A_1040] : memref<512x128xf32, #tpu.memory_space<vmem_shared>> -> memref<1x128xf32, #tpu.memory_space<vmem_shared>>
    %dma_wait3A_1042 = tpu.memref_squeeze %dma_wait3A_1041 : memref<1x128xf32, #tpu.memory_space<vmem_shared>> -> memref<128xf32, #tpu.memory_space<vmem_shared>>
    tpu.wait_dma2 semaphore(%arg12 : memref<!tpu.dma_semaphore, #tpu.memory_space<semaphore_mem>>) src(%dma_wait3A_1042 : memref<128xf32, #tpu.memory_space<vmem_shared>>) dst(%dma_wait3A_1039 : memref<128xf32, #tpu.memory_space<hbm>>)
    %mul3A_1043 = arith.constant 32 : i32
    %mul3A_1044 = arith.muli %arg1, %mul3A_1043 : i32
    %add3A_1045 = arith.constant 29 : i32
    %add3A_1046 = arith.addi %mul3A_1044, %add3A_1045 : i32
    %mul3A_1047 = arith.constant 128 : i32
    %mul3A_1048 = arith.muli %add3A_1046, %mul3A_1047 : i32
    %dma_wait3A_1049 = arith.constant 0 : i32
    %dma_wait3A_1050 = tpu.memref_slice %arg4[%arg0, %dma_wait3A_1049] : memref<2x65536xf32, #tpu.memory_space<hbm>> -> memref<1x65536xf32, #tpu.memory_space<hbm>>
    %dma_wait3A_1051 = tpu.memref_squeeze %dma_wait3A_1050 : memref<1x65536xf32, #tpu.memory_space<hbm>> -> memref<65536xf32, #tpu.memory_space<hbm>>
    %dma_wait3A_1052 = tpu.memref_slice %dma_wait3A_1051[%mul3A_1048] : memref<65536xf32, #tpu.memory_space<hbm>> -> memref<128xf32, #tpu.memory_space<hbm>>
    %dma_wait3A_1053 = arith.constant 0 : i32
    %dma_wait3A_1054 = tpu.memref_slice %arg11[%add3A_1046, %dma_wait3A_1053] : memref<512x128xf32, #tpu.memory_space<vmem_shared>> -> memref<1x128xf32, #tpu.memory_space<vmem_shared>>
    %dma_wait3A_1055 = tpu.memref_squeeze %dma_wait3A_1054 : memref<1x128xf32, #tpu.memory_space<vmem_shared>> -> memref<128xf32, #tpu.memory_space<vmem_shared>>
    tpu.wait_dma2 semaphore(%arg12 : memref<!tpu.dma_semaphore, #tpu.memory_space<semaphore_mem>>) src(%dma_wait3A_1055 : memref<128xf32, #tpu.memory_space<vmem_shared>>) dst(%dma_wait3A_1052 : memref<128xf32, #tpu.memory_space<hbm>>)
    %mul3A_1056 = arith.constant 32 : i32
    %mul3A_1057 = arith.muli %arg1, %mul3A_1056 : i32
    %add3A_1058 = arith.constant 30 : i32
    %add3A_1059 = arith.addi %mul3A_1057, %add3A_1058 : i32
    %mul3A_1060 = arith.constant 128 : i32
    %mul3A_1061 = arith.muli %add3A_1059, %mul3A_1060 : i32
    %dma_wait3A_1062 = arith.constant 0 : i32
    %dma_wait3A_1063 = tpu.memref_slice %arg4[%arg0, %dma_wait3A_1062] : memref<2x65536xf32, #tpu.memory_space<hbm>> -> memref<1x65536xf32, #tpu.memory_space<hbm>>
    %dma_wait3A_1064 = tpu.memref_squeeze %dma_wait3A_1063 : memref<1x65536xf32, #tpu.memory_space<hbm>> -> memref<65536xf32, #tpu.memory_space<hbm>>
    %dma_wait3A_1065 = tpu.memref_slice %dma_wait3A_1064[%mul3A_1061] : memref<65536xf32, #tpu.memory_space<hbm>> -> memref<128xf32, #tpu.memory_space<hbm>>
    %dma_wait3A_1066 = arith.constant 0 : i32
    %dma_wait3A_1067 = tpu.memref_slice %arg11[%add3A_1059, %dma_wait3A_1066] : memref<512x128xf32, #tpu.memory_space<vmem_shared>> -> memref<1x128xf32, #tpu.memory_space<vmem_shared>>
    %dma_wait3A_1068 = tpu.memref_squeeze %dma_wait3A_1067 : memref<1x128xf32, #tpu.memory_space<vmem_shared>> -> memref<128xf32, #tpu.memory_space<vmem_shared>>
    tpu.wait_dma2 semaphore(%arg12 : memref<!tpu.dma_semaphore, #tpu.memory_space<semaphore_mem>>) src(%dma_wait3A_1068 : memref<128xf32, #tpu.memory_space<vmem_shared>>) dst(%dma_wait3A_1065 : memref<128xf32, #tpu.memory_space<hbm>>)
    %mul3A_1069 = arith.constant 32 : i32
    %mul3A_1070 = arith.muli %arg1, %mul3A_1069 : i32
    %add3A_1071 = arith.constant 31 : i32
    %add3A_1072 = arith.addi %mul3A_1070, %add3A_1071 : i32
    %mul3A_1073 = arith.constant 128 : i32
    %mul3A_1074 = arith.muli %add3A_1072, %mul3A_1073 : i32
    %dma_wait3A_1075 = arith.constant 0 : i32
    %dma_wait3A_1076 = tpu.memref_slice %arg4[%arg0, %dma_wait3A_1075] : memref<2x65536xf32, #tpu.memory_space<hbm>> -> memref<1x65536xf32, #tpu.memory_space<hbm>>
    %dma_wait3A_1077 = tpu.memref_squeeze %dma_wait3A_1076 : memref<1x65536xf32, #tpu.memory_space<hbm>> -> memref<65536xf32, #tpu.memory_space<hbm>>
    %dma_wait3A_1078 = tpu.memref_slice %dma_wait3A_1077[%mul3A_1074] : memref<65536xf32, #tpu.memory_space<hbm>> -> memref<128xf32, #tpu.memory_space<hbm>>
    %dma_wait3A_1079 = arith.constant 0 : i32
    %dma_wait3A_1080 = tpu.memref_slice %arg11[%add3A_1072, %dma_wait3A_1079] : memref<512x128xf32, #tpu.memory_space<vmem_shared>> -> memref<1x128xf32, #tpu.memory_space<vmem_shared>>
    %dma_wait3A_1081 = tpu.memref_squeeze %dma_wait3A_1080 : memref<1x128xf32, #tpu.memory_space<vmem_shared>> -> memref<128xf32, #tpu.memory_space<vmem_shared>>
    tpu.wait_dma2 semaphore(%arg12 : memref<!tpu.dma_semaphore, #tpu.memory_space<semaphore_mem>>) src(%dma_wait3A_1081 : memref<128xf32, #tpu.memory_space<vmem_shared>>) dst(%dma_wait3A_1078 : memref<128xf32, #tpu.memory_space<hbm>>)
    return
  }
}

module attributes {stable_mosaic.version = 14 : i64} {
  func.func @_fold_body(%arg0: i32, %arg1: memref<2x8192xf32, #tpu.memory_space<vmem>>, %arg2: memref<512xf32, #tpu.memory_space<vmem>>) attributes {dimension_semantics = [#tpu.dimension_semantics<arbitrary>], iteration_bounds = array<i64: 8>, scalar_prefetch = 0 : i64, scratch_operands = 0 : i64, tpu.core_type = #tpu.core_type<tc>, window_params = [{transform_indices = @transform_0, window_bounds = array<i64: 2, 8192>}, {transform_indices = @transform_1, window_bounds = array<i64: 512>}]} {
    %get3A = arith.constant 0 : index
    %get3A_0 = arith.constant 0 : index
    %get3A_1 = vector.load %arg1[%get3A, %get3A_0] : memref<2x8192xf32, #tpu.memory_space<vmem>>, vector<2x8192xf32>
    %reshape3A = vector.shape_cast %get3A_1 : vector<2x8192xf32> to vector<2x512x16xf32>
    %reduce_sum3A = arith.constant dense<0.000000e+00> : vector<512xf32>
    %reduce_sum3A_2 = vector.multi_reduction <add>, %reshape3A, %reduce_sum3A [0, 2] : vector<2x512x16xf32> to vector<512xf32>
    %mul3A = arith.constant 1.000000e+00 : f32
    %mul3A_3 = vector.broadcast %mul3A : f32 to vector<512xf32>
    %mul3A_4 = arith.mulf %reduce_sum3A_2, %mul3A_3 : vector<512xf32>
    %swap3A = arith.constant 0 : index
    %swap3A_5 = vector.load %arg2[%swap3A] : memref<512xf32, #tpu.memory_space<vmem>>, vector<512xf32>
    tpu.vector_store %arg2[%swap3A], %mul3A_4 {strides = array<i32>} : memref<512xf32, #tpu.memory_space<vmem>>, vector<512xf32>,
    return
  }
  func.func @transform_0(%arg0: i32) -> (i32, i32) {
    %c0_i32 = arith.constant 0 : i32
    %c0_i32_0 = arith.constant 0 : i32
    return %c0_i32, %arg0 : i32, i32
  }
  func.func @transform_1(%arg0: i32) -> i32 {
    %c0_i32 = arith.constant 0 : i32
    return %arg0 : i32
  }
}

</mosaic_0001>

<sc_bundles>
// kernel: kernel.4.cloned.1.call-start
scs
__scs_entry_jumppad:
0x0: {  	(pc) =	sbr.rel $0x88, $3  }
0x1: {  	(tag) =	ssettag $0x0;
	lr =	simm.s32 $0x1  }
0x2: {  	[smem:$0x3F9F] =	sst lr;
	_ =	strace $0xD0000000  }
0x3: {  	_ = 	snop  }
0x4: {  	_ = 	snop  }
0x5: {  	_ = 	snop  }
0x6: {  	_ = 	snop  }
0x7: {  	_ = 	snop  }
__scs_overlays_trampoline_lowered:
0x8: {  	[smem:$0x3FAE] =	sst s0  }
0x9: {  	[smem:$0x3FAF] =	sst s1  }
0xa: {  	[smem:$0x3FB0] =	sst s2  }
0xb: {  	[smem:$0x3FB1] =	sst s3  }
0xc: {  	[smem:$0x3FB2] =	sst s4  }
0xd: {  	[smem:$0x3FB3] =	sst s5  }
0xe: {  	[smem:$0x3FB4] =	sst s6  }
0xf: {  	[smem:$0x3FB5] =	sst s7  }
0x10: {  	[smem:$0x3FB6] =	sst s8  }
0x11: {  	[smem:$0x3FB7] =	sst s9;
	s0 =	simm.s32 @!p0 $0x0  }
0x12: {  	s1 =	sld [smem:$0x3F9D];
	s0 =	simm.s32 @p0 $0x1  }
0x13: {  	[smem:$0x3FB8] =	sst s0;
	s0 =	simm.s32 @!p1 $0x0  }
0x14: {  	s2 =	sld [smem:$0x3F9C];
	s0 =	simm.s32 @p1 $0x1  }
0x15: {  	[smem:$0x3FB9] =	sst s0;
	s0 =	simm.s32 @!p2 $0x0  }
0x16: {  	s3 =	sld [smem:$0x3FDB];
	s0 =	simm.s32 @p2 $0x1  }
0x17: {  	s4 =	simm.s32 $0x1BF5;
	[smem:$0x3FBB] =	sst s0  }
0x18: {  	s0 =	sld [smem:$0x3F9E];
	_ =	swait.ge [sflag:s4], $0x0  }
0x19: {  	s7 =	sld [smem:$0x3F9F]  }
0x1a: {  	s8 =	sadd.s32 $0xFFFFE003, lr  }
0x1b: {  	s9 =	sadd.s32 $0xFFFFFEF7, lr;
	s5 =	simm.s32 $0xFFFFFFFF;
	p2 =	slt.u32 s8, $0xFFFFF086  }
0x1c: {  	p1 =	slt.u32 s9, $0xF7A;
	s5 =	simm.s32 @!p2 $0x0  }
0x1d: {  	s5 =	simm.s32 @p1 $0x1;
	p0 =	seq.s32 s7, s2  }
0x1e: {  	s7 =	smul.u32 @!p0 $0xF7A, s2;
	p2 =	seq.s32 @!p0 s5, $0x0  }
0x1f: {  	s9 =	smul.u32 $0xF7A, s1;
	s8 =	simm.s32 @!p0 $0x1BF5;
	p2 =	por !p2, p0  }
0x20: {  	[sflag:s8] =	ssyncset.s32 @!p0 $0xFFFFF086;
	s6 =	sadd.s32 @!p0 s3, s7;
	s7 =	simm.s32 @!p0 $0x108  }
0x21: {  	s3 =	sadd.s32 s3, s9;
	s6 =	sadd.s32 @!p0 $0x88, s6;
	s7 =	simm.s32 @p2 $0x1082  }
0x22: {  	[simem:s7], [sflag:s8] =	dma.local @!p0 [hbm:s6], $0xF7A  }
0x23: {  	s9 =	sor.u32 $0xD0000000, s2;
	s6 =	simm.s32 $0x108;
	_ =	swait.ge @!p0 [sflag:s8], $0x0  }
0x24: {  	s3 =	sadd.s32 $0x88, s3;
	s6 =	simm.s32 @!p1 $0x1082;
	[sflag:s4] =	ssyncset.s32 $0xFFFFF086  }
0x25: {  	[simem:s6], [sflag:s4] =	dma.local [hbm:s3], $0xF7A  }
0x26: {  	[smem:$0x3F9F] =	sst s1;
	(tag) =	ssettag s2;
	_ =	strace s9  }
0x27: {  	s1 =	sld [smem:$0x3FAF]  }
0x28: {  	s2 =	sld [smem:$0x3FB0]  }
0x29: {  	s4 =	sld [smem:$0x3FB2]  }
0x2a: {  	p0 =	seq.s32 s5, $0x0;
	s5 =	sld [smem:$0x3FB3]  }
0x2b: {  	s6 =	sld [smem:$0x3FB4]  }
0x2c: {  	s7 =	sld [smem:$0x3FB5]  }
0x2d: {  	s3 =	simm.s32 $0x108;
	s8 =	sld [smem:$0x3FB6]  }
0x2e: {  	s3 =	simm.s32 @!p0 $0x1082;
	s9 =	sld [smem:$0x3FB7]  }
0x2f: {  	lr =	sadd.s32 s0, s3;
	s0 =	sld [smem:$0x3FAE]  }
0x30: {  	s3 =	sld [smem:$0x3FB1]  }
0x31: {  	[smem:$0x3FBA] =	sst s10  }
0x32: {  	s10 =	sld [smem:$0x3FB8];
	_ =	sdelay $0x3  }
0x33: {  	p0 =	seq.s32 s10, $0x1;
	s10 =	sld [smem:$0x3FBA];
	_ =	sdelay $0x3  }
0x34: {  	[smem:$0x3FBA] =	sst s10  }
0x35: {  	s10 =	sld [smem:$0x3FB9];
	_ =	sdelay $0x3  }
0x36: {  	p1 =	seq.s32 s10, $0x1;
	s10 =	sld [smem:$0x3FBA];
	_ =	sdelay $0x3  }
0x37: {  	[smem:$0x3FBA] =	sst s10  }
0x38: {  	s10 =	sld [smem:$0x3FBB]  }
0x39: {  	_ = 	snop;
	(pc) =	sbr.ind lr, $3  }
0x3a: {  	_ = 	snop  }
0x3b: {  	_ = 	snop  }
0x3c: {  	p2 =	seq.s32 s10, $0x1;
	s10 =	sld [smem:$0x3FBA]  }
0x3d: {  	_ =	shalt  }
0x3e: {  	_ =	shalt  }
0x3f: {  	_ =	shalt  }
0x40: {  	_ =	shalt  }
0x41: {  	_ =	shalt  }
0x42: {  	_ =	shalt  }
0x43: {  	_ =	shalt  }
0x44: {  	_ =	shalt  }
0x45: {  	_ =	shalt  }
0x46: {  	_ =	shalt  }
0x47: {  	_ =	shalt  }
0x48: {  	_ =	shalt  }
0x49: {  	_ =	shalt  }
0x4a: {  	_ =	shalt  }
0x4b: {  	_ =	shalt  }
0x4c: {  	_ =	shalt  }
0x4d: {  	_ =	shalt  }
0x4e: {  	_ =	shalt  }
0x4f: {  	_ =	shalt  }
0x50: {  	_ =	shalt  }
0x51: {  	_ =	shalt  }
0x52: {  	_ =	shalt  }
0x53: {  	_ =	shalt  }
0x54: {  	_ =	shalt  }
0x55: {  	_ =	shalt  }
0x56: {  	_ =	shalt  }
0x57: {  	_ =	shalt  }
0x58: {  	_ =	shalt  }
0x59: {  	_ =	shalt  }
0x5a: {  	_ =	shalt  }
0x5b: {  	_ =	shalt  }
0x5c: {  	_ =	shalt  }
0x5d: {  	_ =	shalt  }
0x5e: {  	_ =	shalt  }
0x5f: {  	_ =	shalt  }
0x60: {  	_ =	shalt  }
0x61: {  	_ =	shalt  }
0x62: {  	_ =	shalt  }
0x63: {  	_ =	shalt  }
0x64: {  	_ =	shalt  }
0x65: {  	_ =	shalt  }
0x66: {  	_ =	shalt  }
0x67: {  	_ =	shalt  }
0x68: {  	_ =	shalt  }
0x69: {  	_ =	shalt  }
0x6a: {  	_ =	shalt  }
0x6b: {  	_ =	shalt  }
0x6c: {  	_ =	shalt  }
0x6d: {  	_ =	shalt  }
0x6e: {  	_ =	shalt  }
0x6f: {  	_ =	shalt  }
0x70: {  	_ =	shalt  }
0x71: {  	_ =	shalt  }
0x72: {  	_ =	shalt  }
0x73: {  	_ =	shalt  }
0x74: {  	_ =	shalt  }
0x75: {  	_ =	shalt  }
0x76: {  	_ =	shalt  }
0x77: {  	_ =	shalt  }
0x78: {  	_ =	shalt  }
0x79: {  	_ =	shalt  }
0x7a: {  	_ =	shalt  }
0x7b: {  	_ =	shalt  }
0x7c: {  	_ =	shalt  }
0x7d: {  	_ =	shalt  }
0x7e: {  	_ =	shalt  }
0x7f: {  	_ =	shalt  }
0x80: {  	_ =	shalt  }
0x81: {  	_ =	shalt  }
0x82: {  	_ =	shalt  }
0x83: {  	_ =	shalt  }
0x84: {  	_ =	shalt  }
0x85: {  	_ =	shalt  }
0x86: {  	_ =	shalt  }
0x87: {  	_ =	shalt  }
.Lfunc_end0:
.L_simem_size_0:
called_computation_lowered:
.L_overlay_start_0:
0x88: {  	s2 =	sld [smem:$0x3FD9]  }
0x89: {  	s3 =	sld [smem:$0x3FFE];
	_ =	sdelay $0x1  }
0x8a: {  	s1 =	srdreg.scid  }
0x8b: {  	s0 =	sand.u32 $0x1, s1  }
0x8c: {  	s17 =	sshll.u32 s0, $0xA;
	s2 =	sadd.s32 s3, s2  }
0x8d: {  	s2 =	sadd.s32 s2, s17  }
0x8e: {  	[smem:$0x3FC6] =	sst s2  }
0x8f: {  	_ = 	snop  }
0x90: {  	s2 =	sld [smem:$0x3FC9]  }
0x91: {  	s18 =	sld [smem:$0x3FC8];
	(tm) =	ssettm $0x1  }
0x92: {  	s4 =	sld [smem:$0x3FFB];
	_ =	sdelay $0x3  }
0x93: {  	_ =	strace s4  }
0x94: {  	s4 =	sld [smem:$0x3FFC];
	_ =	sdelay $0x3  }
0x95: {  	_ =	strace s4  }
0x96: {  	s4 =	sld [smem:$0x3FFD];
	_ =	sdelay $0x3  }
0x97: {  	_ =	strace s4  }
0x98: {  	_ =	strace $0x8FFFFFFF  }
0x99: {  	s19 =	sld [smem:$0x3FDB];
	_ =	sdelay $0x1  }
0x9a: {  	s5 =	simm.s32 $_scs_section_size  }
0x9b: {  	s6 =	simm.s32 $_size__tile_overlayer_lowered;
	s7 =	simm.s32 $_tile_overlayer_lowered  }
0x9c: {  	s22 =	simm.s32 $0x1BFF;
	s21 =	sshll.u32 s7, $0x1;
	s4 =	sadd.s32 s5, s19  }
0x9d: {  	s8 =	simm.s32 $0x0;
	s20 =	sshll.u32 s6, $0x1;
	s6 =	sadd.s32 s21, s4  }
0x9e: {  	[timem:s8], [sflag:s22] =	dma.local [hbm:s6], s20  }
0x9f: {  	_ =	swait.ge [sflag:s22], s20  }
0xa0: {  	s5 =	ssub.s32 $0x0, s20;
	[sflag:s22] =	ssyncset.done $0x0  }
0xa1: {  	[sflag:s22] =	ssyncadd.s32 s5;
	_ =	sdelay $0x1  }
0xa2: {  	s23 =	simm.s32 $0x1B8B  }
0xa3: {  	_ =	swait.ge [sflag:s23], $0x1  }
0xa4: {  	[sflag:s23] =	ssyncset.done $0x0  }
0xa5: {  	s25 =	simm.s32 $0x1B8E;
	s24 =	sld [smem:$0x3FFE];
	[sflag:s23] =	ssyncadd.s32 $0xFFFFFFFF  }
0xa6: {  	s26 =	simm.s32 $execute0_lowered;
	[smem:$0x3FD2] =	sst s25  }
0xa7: {  	s6 =	sshll.u32 s26, $0x1;
	_ =	strace $0x80000046;
	[dreg:$0x1] =	wrdreg $0xFFFFFFFF  }
0xa8: {  	s28 =	simm.s32 $_size_execute0_lowered;
	s4 =	sadd.s32 s4, s6;
	[dreg:$0x0] =	wrdreg $0x0  }
0xa9: {  	s6 =	sshll.u32 s28, $0x1;
	[dreg:$0x2] =	wrdreg s4  }
0xaa: {  	[dreg:$0x3] =	wrdreg s6  }
0xab: {  	[dreg:$0x4] =	wrdreg $0xC0  }
0xac: {  	_ =	task [dreg:s8], $0x5FFFF  }
0xad: {  	[dreg:$0x1] =	wrdreg $0xFFFFFFFF  }
0xae: {  	[dreg:$0x0] =	wrdreg $0x60  }
0xaf: {  	[dreg:$0x2] =	wrdreg s2  }
0xb0: {  	[dreg:$0x3] =	wrdreg s18  }
0xb1: {  	[dreg:$0x4] =	wrdreg s24  }
0xb2: {  	[dreg:$0x5] =	wrdreg $0x1A0000  }
0xb3: {  	[dreg:$0x6] =	wrdreg $0x9  }
0xb4: {  	_ =	task.clear_ibuf [dreg:s8], $0x7FFFF;
	_ =	strace $0x90000046  }
0xb5: {  	s29 =	simm.s32 $0x9;
	_ =	strace $0x80000048  }
0xb6: {  	_ =	swait.ge [sflag:s29], $0x1  }
0xb7: {  	[sflag:s29] =	ssyncadd.s32 $0xFFFFFFFF  }
0xb8: {  	_ =	strace $0x90000048  }
0xb9: {  	_ =	sfence  }
0xba: {  	s30 =	sld [smem:$0x0];
	_ =	sdelay $0x2  }
0xbb: {  	s31 =	sshll.u32 s1, $0xD;
	s1 =	sshrl.u32 s1, $0x2  }
0xbc: {  	s3 =	sand.u32 $0x4000, s31;
	s1 =	sadd.s32 s1, s30  }
0xbd: {  	s0 =	sor.u32 s3, s0;
	s1 =	sshll.u32 s1, $0x11  }
0xbe: {  	s0 =	sor.u32 s1, s0  }
0xbf: {  	s0 =	sadd.s32 $0x8F2B, s0  }
0xc0: {  	[sflag:s0] =	ssyncadd.remote.s32 $0x1  }
0xc1: {  	_ =	sfence.sel $0xFFFF  }
0xc2: {  	[dreg:$0x0] =	wrdreg $0xFFFFFFFF;
	(pc) =	sbr.abs _section_cstart, $3  }
0xc3: {  	[dreg:$0x1] =	wrdreg $0xFFFFFFFF  }
0xc4: {  	_ =	task.clear_ibuf [dreg:s8], $0x2FFFF;
	_ =	strace $0x9FFFFFFF  }
0xc5: {  	(tm) =	ssettm $0x7FFFFFFF  }
tec
execute0_lowered:
.L_overlay_start_1:
0x0: {  	(tag) =	ssettag $0x1  }
0x1: {  	s1 =	srdreg.scid  }
0x2: {  	s2 =	rddreg [dreg:$0x2];
	s0 =	simm.s32 $0x0;
	s7 =	stileid.u32  }
0x3: {  	s1 =	sand.u32 $0x1, s1;
	[smem:$0x7FF] =	sst s0;
	s6 =	sshll.u32 s7, $0xC  }
0x4: {  	s3 =	sshll.u32 s1, $0x4;
	s1 =	ssub.s32 $0x2, s1;
	s15 =	sor.u32 $0x80, s6  }
0x5: {  	s17 =	sor.u32 $0x100, s6;
	s18 =	sor.u32 $0x180, s6;
	s24 =	sor.u32 $0x200, s6  }
0x6: {  	s25 =	sor.u32 $0x280, s6;
	s28 =	sor.u32 $0x300, s6;
	s29 =	sor.u32 $0x380, s6  }
0x7: {  	s30 =	sor.u32 $0x400, s6;
	s10 =	sor.u32 $0x480, s6;
	s13 =	sor.u32 $0x500, s6  }
0x8: {  	s4 =	sshrl.u32 s1, $0x1;
	s5 =	sor.u32 s7, s3;
	[smem:$0x7D0] =	sst s10  }
0x9: {  	s2 =	sadd.s32 s3, s2;
	s23 =	sshrl.u32 s10, $0x2;
	[smem:$0x7D1] =	sst s13  }
0xa: {  	s10 =	sor.u32 $0x580, s6;
	s1 =	ssub.s32 s1, s4;
	s16 =	smul.u32 $0x30D40, s5  }
0xb: {  	s11 =	sadd.s32 $0x600, s2;
	s5 =	sshll.u32 s7, $0xA;
	[smem:$0x7D2] =	sst s10  }
0xc: {  	s7 =	sshrl.u32 s15, $0x2;
	[smem:$0x7DE] =	sst s1;
	s1 =	sadd.s32 s5, s11  }
0xd: {  	s8 =	sshrl.u32 s17, $0x2;
	s14 =	sadd.s32 s7, s11;
	[dreg:$0x5] =	wrdreg s1  }
0xe: {  	s9 =	sshrl.u32 s18, $0x2;
	s26 =	sadd.s32 s8, s11;
	[dreg:$0x6] =	wrdreg s14  }
0xf: {  	s12 =	sshrl.u32 s24, $0x2;
	s31 =	sadd.s32 s9, s11;
	[dreg:$0x7] =	wrdreg s26  }
0x10: {  	s19 =	sshrl.u32 s25, $0x2;
	s2 =	sadd.s32 s12, s11;
	[dreg:$0x8] =	wrdreg s31  }
0x11: {  	s20 =	sshrl.u32 s28, $0x2;
	s3 =	sadd.s32 s19, s11;
	[dreg:$0x9] =	wrdreg s2  }
0x12: {  	s21 =	sshrl.u32 s29, $0x2;
	s5 =	sadd.s32 s20, s11;
	[dreg:$0xa] =	wrdreg s3  }
0x13: {  	s22 =	sshrl.u32 s30, $0x2;
	s7 =	sadd.s32 s21, s11;
	[dreg:$0xb] =	wrdreg s5  }
0x14: {  	s8 =	sadd.s32 s22, s11;
	[dreg:$0xc] =	wrdreg s7  }
0x15: {  	s12 =	sadd.s32 s23, s11;
	[dreg:$0xd] =	wrdreg s8  }
0x16: {  	s19 =	sor.u32 $0x680, s6;
	[dreg:$0xe] =	wrdreg s12  }
0x17: {  	s20 =	sor.u32 $0x700, s6;
	[smem:$0x7D4] =	sst s19  }
0x18: {  	s9 =	sshrl.u32 s13, $0x2;
	s23 =	sor.u32 $0x780, s6;
	[smem:$0x7D5] =	sst s20  }
0x19: {  	s1 =	sadd.s32 s9, s11;
	[smem:$0x7D6] =	sst s23  }
0x1a: {  	s13 =	sshrl.u32 s10, $0x2;
	s14 =	sor.u32 $0x600, s6;
	[dreg:$0xf] =	wrdreg s1  }
0x1b: {  	s2 =	sshrl.u32 s19, $0x2;
	s26 =	sor.u32 $0x800, s6;
	[smem:$0x7D3] =	sst s14  }
0x1c: {  	s22 =	sshrl.u32 s20, $0x2;
	s31 =	sor.u32 $0x880, s6;
	[smem:$0x7D7] =	sst s26  }
0x1d: {  	s5 =	sor.u32 $0x900, s6;
	s7 =	sor.u32 $0x980, s6;
	[smem:$0x7D8] =	sst s31  }
0x1e: {  	s8 =	sor.u32 $0xA00, s6;
	s12 =	sor.u32 $0xA80, s6;
	[smem:$0x7D9] =	sst s5  }
0x1f: {  	s1 =	sadd.s32 s13, s11;
	s21 =	sadd.s32 s2, s11;
	[smem:$0x7DA] =	sst s7  }
0x20: {  	s2 =	sshrl.u32 s26, $0x2;
	s4 =	sshrl.u32 s31, $0x2;
	[smem:$0x7DB] =	sst s8  }
0x21: {  	s10 =	sshrl.u32 s8, $0x2;
	[smem:$0x7DC] =	sst s12;
	s13 =	sor.u32 $0xB00, s6  }
0x22: {  	s26 =	sor.u32 $0xB80, s6;
	s8 =	sor.u32 $0xE00, s6;
	[dreg:$0x10] =	wrdreg s1  }
0x23: {  	s1 =	sshrl.u32 s14, $0x2;
	[dreg:$0x12] =	wrdreg s21;
	s2 =	sadd.s32 s2, s11  }
0x24: {  	[smem:$0x7DD] =	sst s13;
	s14 =	sshrl.u32 s12, $0x2;
	s3 =	sshrl.u32 s13, $0x2  }
0x25: {  	s20 =	sshrl.u32 s26, $0x2;
	s1 =	sadd.s32 s1, s11;
	[dreg:$0x15] =	wrdreg s2  }
0x26: {  	s13 =	sor.u32 $0xC00, s6;
	s19 =	sadd.s32 s3, s11;
	[dreg:$0x11] =	wrdreg s1  }
0x27: {  	s12 =	sshrl.u32 s8, $0x2;
	s21 =	sadd.s32 s20, s11;
	[dreg:$0x1b] =	wrdreg s19  }
0x28: {  	s2 =	sshrl.u32 s7, $0x2;
	s20 =	sadd.s32 s12, s11;
	[dreg:$0x1c] =	wrdreg s21  }
0x29: {  	s7 =	sor.u32 $0xE80, s6;
	s1 =	sadd.s32 s22, s11;
	[smem:$0x7C8] =	sst s20  }
0x2a: {  	s9 =	sadd.s32 s2, s11;
	s22 =	sshrl.u32 s13, $0x2;
	[dreg:$0x13] =	wrdreg s1  }
0x2b: {  	s1 =	sshrl.u32 s23, $0x2;
	[dreg:$0x18] =	wrdreg s9;
	s31 =	sadd.s32 s22, s11  }
0x2c: {  	s21 =	sshrl.u32 s7, $0x2;
	s1 =	sadd.s32 s1, s11;
	[dreg:$0x1d] =	wrdreg s31  }
0x2d: {  	s9 =	sor.u32 $0xD80, s6;
	[dreg:$0x14] =	wrdreg s1;
	s1 =	sadd.s32 s4, s11  }
0x2e: {  	s22 =	sadd.s32 s21, s11;
	[dreg:$0x16] =	wrdreg s1;
	s1 =	sshrl.u32 s5, $0x2  }
0x2f: {  	[smem:$0x7C9] =	sst s22;
	s5 =	sshrl.u32 s9, $0x2;
	s1 =	sadd.s32 s1, s11  }
0x30: {  	s19 =	sadd.s32 s5, s11;
	[dreg:$0x17] =	wrdreg s1  }
0x31: {  	s1 =	sadd.s32 s10, s11;
	[smem:$0x7C7] =	sst s19  }
0x32: {  	s10 =	sor.u32 $0xD00, s6;
	[dreg:$0x19] =	wrdreg s1;
	s1 =	sadd.s32 s14, s11  }
0x33: {  	s14 =	sor.u32 $0xC80, s6;
	s3 =	sshrl.u32 s10, $0x2;
	[dreg:$0x1a] =	wrdreg s1  }
0x34: {  	s23 =	sshrl.u32 s14, $0x2;
	s4 =	sadd.s32 s3, s11;
	s3 =	rddreg [dreg:$0x1]  }
0x35: {  	s2 =	sadd.s32 s23, s11;
	[dreg:$0x1f] =	wrdreg s4;
	s4 =	sor.u32 $0xF00, s6  }
0x36: {  	[dreg:$0x1e] =	wrdreg s2;
	s23 =	sshrl.u32 s4, $0x2  }
0x37: {  	s1 =	sor.u32 $0xF80, s6;
	s2 =	rddreg [dreg:$0x0];
	s5 =	sadd.s32 s23, s11  }
0x38: {  	s31 =	sshrl.u32 s1, $0x2;
	[smem:$0x7CA] =	sst s5  }
0x39: {  	s19 =	sshrl.u32 s16, $0x3;
	s11 =	sadd.s32 s31, s11;
	s5 =	rddreg [dreg:$0x3]  }
0x3a: {  	s21 =	sadd.s32 $0x4E2, s19;
	s20 =	sadd.s32 s2, s19;
	[smem:$0x7CB] =	sst s11  }
0x3b: {  	s11 =	sadd.s32 s3, s19;
	_ =	strace $0x80000047;
	[smem:$0x7CC] =	sst s20  }
0x3c: {  	s22 =	sadd.s32 s2, s21;
	[smem:$0x7CD] =	sst s11  }
0x3d: {  	s23 =	sadd.s32 s3, s21;
	[smem:$0x7CE] =	sst s22  }
0x3e: {  	s12 =	sadd.s32 $0x7530, s16;
	[smem:$0x7CF] =	sst s23  }
0x3f: {  	s11 =	sadd.s32 $0x4E20, s16;
	s16 =	sadd.s32 s15, s5;
	s15 =	sadd.s32 s17, s5  }
0x40: {  	s17 =	sadd.s32 s18, s5;
	s18 =	sadd.s32 s24, s5;
	s24 =	sld [smem:$0x7D0]  }
0x41: {  	s19 =	sadd.s32 s25, s5;
	s25 =	sld [smem:$0x7D1]  }
0x42: {  	s22 =	sadd.s32 s30, s5;
	s30 =	sld [smem:$0x7D2]  }
0x43: {  	s20 =	sadd.s32 s28, s5;
	s28 =	sld [smem:$0x7D3]  }
0x44: {  	s21 =	sadd.s32 s29, s5;
	s29 =	sld [smem:$0x7D4]  }
0x45: {  	s10 =	sadd.s32 s10, s5;
	s31 =	sld [smem:$0x7D5]  }
0x46: {  	s9 =	sadd.s32 s9, s5;
	[smem:$0x7FA] =	sst s10  }
0x47: {  	s8 =	sadd.s32 s8, s5;
	[smem:$0x7FB] =	sst s9  }
0x48: {  	s7 =	sadd.s32 s7, s5;
	[smem:$0x7FC] =	sst s8  }
0x49: {  	s6 =	sadd.s32 s6, s5;
	[smem:$0x7FD] =	sst s7  }
0x4a: {  	s8 =	sld [smem:$0x7DE];
	s6 =	sshrl.u32 s6, $0x3  }
0x4b: {  	s10 =	sshrl.u32 s16, $0x3;
	[smem:$0x7E0] =	sst s6  }
0x4c: {  	s16 =	sshrl.u32 s15, $0x3;
	[smem:$0x7E1] =	sst s10  }
0x4d: {  	s17 =	sshrl.u32 s17, $0x3;
	[smem:$0x7E2] =	sst s16  }
0x4e: {  	s18 =	sshrl.u32 s18, $0x3;
	s19 =	sshrl.u32 s19, $0x3;
	[smem:$0x7E3] =	sst s17  }
0x4f: {  	[smem:$0x7E4] =	sst s18;
	s23 =	sadd.s32 s24, s5;
	s24 =	sadd.s32 s25, s5  }
0x50: {  	s25 =	sadd.s32 s30, s5;
	s30 =	sadd.s32 s31, s5;
	s31 =	sld [smem:$0x7D6]  }
0x51: {  	s20 =	sshrl.u32 s20, $0x3;
	[smem:$0x7E5] =	sst s19  }
0x52: {  	s21 =	sshrl.u32 s21, $0x3;
	[smem:$0x7E6] =	sst s20  }
0x53: {  	[smem:$0x7E7] =	sst s21;
	s31 =	sadd.s32 s31, s5  }
0x54: {  	[smem:$0x7EF] =	sst s31  }
0x55: {  	s7 =	smax.u32 s8, $0x1;
	s31 =	sld [smem:$0x7D7]  }
0x56: {  	[smem:$0x7DF] =	sst s7  }
0x57: {  	s10 =	sshrl.u32 s25, $0x3;
	s25 =	sld [smem:$0x7FA]  }
0x58: {  	s17 =	sshrl.u32 s30, $0x3;
	s30 =	sld [smem:$0x7FC];
	s31 =	sadd.s32 s31, s5  }
0x59: {  	[smem:$0x7F1] =	sst s31  }
0x5a: {  	s7 =	sshrl.u32 s22, $0x3;
	s31 =	sld [smem:$0x7D8]  }
0x5b: {  	s9 =	stileid.u32;
	s8 =	sshrl.u32 s23, $0x3;
	[smem:$0x7E8] =	sst s7  }
0x5c: {  	p0 =	sne.s32 s9, $0x0;
	s9 =	sshrl.u32 s24, $0x3;
	[smem:$0x7E9] =	sst s8  }
0x5d: {  	[smem:$0x7EA] =	sst s9;
	s31 =	sadd.s32 s31, s5  }
0x5e: {  	[smem:$0x7F3] =	sst s31  }
0x5f: {  	s28 =	sadd.s32 s28, s5;
	s31 =	sld [smem:$0x7D9]  }
0x60: {  	s29 =	sadd.s32 s29, s5;
	s15 =	sshrl.u32 s28, $0x3;
	[smem:$0x7EB] =	sst s10  }
0x61: {  	s16 =	sshrl.u32 s29, $0x3;
	[smem:$0x7EC] =	sst s15  }
0x62: {  	[smem:$0x7ED] =	sst s16;
	s31 =	sadd.s32 s31, s5  }
0x63: {  	[smem:$0x7F5] =	sst s31  }
0x64: {  	s31 =	sld [smem:$0x7DA]  }
0x65: {  	[smem:$0x7EE] =	sst s17  }
0x66: {  	s26 =	sadd.s32 s26, s5;
	s18 =	sld [smem:$0x7EF]  }
0x67: {  	s10 =	sshrl.u32 s26, $0x3;
	s26 =	sld [smem:$0x7FB];
	s31 =	sadd.s32 s31, s5  }
0x68: {  	[smem:$0x7F7] =	sst s31  }
0x69: {  	s6 =	sshrl.u32 s18, $0x3;
	s31 =	sld [smem:$0x7DB]  }
0x6a: {  	[smem:$0x7F0] =	sst s6  }
0x6b: {  	s19 =	sld [smem:$0x7F1]  }
0x6c: {  	s20 =	sld [smem:$0x7F3];
	s31 =	sadd.s32 s31, s5  }
0x6d: {  	s13 =	sadd.s32 s13, s5;
	s14 =	sadd.s32 s14, s5;
	[smem:$0x7F8] =	sst s31  }
0x6e: {  	s4 =	sadd.s32 s4, s5;
	s6 =	sshrl.u32 s19, $0x3;
	s31 =	sld [smem:$0x7DC]  }
0x6f: {  	v0 =	vlaneseq.u32;
	s1 =	sadd.s32 s1, s5;
	[smem:$0x7F2] =	sst s6;
	s6 =	sshrl.u32 s20, $0x3  }
0x70: {  	v1 =	vimm.f32 $0.0e+00;
	v2 =	vor.u32 $0x10, v0;
	s13 =	sshrl.u32 s13, $0x3;
	s14 =	sshrl.u32 s14, $0x3;
	[smem:$0x7F4] =	sst s6  }
0x71: {  	v3 =	vor.u32 $0x20, v0;
	v4 =	vor.u32 $0x30, v0;
	v5 =	vor.u32 $0x40, v0;
	s28 =	simm.s32 $0x3;
	s21 =	sld [smem:$0x7F5];
	s31 =	sadd.s32 s31, s5  }
0x72: {  	v6 =	vor.u32 $0x50, v0;
	v7 =	vor.u32 $0x60, v0;
	v8 =	vor.u32 $0x70, v0;
	s29 =	simm.s32 $0x0;
	s15 =	sshrl.u32 s25, $0x3;
	[smem:$0x7F9] =	sst s31  }
0x73: {  	v9 =	vor.u32 $0x80, v0;
	v10 =	vor.u32 $0x90, v0;
	v11 =	vor.u32 $0xA0, v0;
	s17 =	sshrl.u32 s30, $0x3;
	s25 =	simm.s32 $0x2;
	s31 =	sld [smem:$0x7DD]  }
0x74: {  	v12 =	vor.u32 $0xB0, v0;
	v13 =	vor.u32 $0xC0, v0;
	v14 =	vor.u32 $0xD0, v0;
	s16 =	sshrl.u32 s26, $0x3;
	s26 =	simm.s32 $0x80;
	s22 =	sld [smem:$0x7F7]  }
0x75: {  	v15 =	vor.u32 $0xE0, v0;
	v16 =	vor.u32 $0xF0, v0;
	v17 =	vor.u32 $0x100, v0;
	s19 =	sshrl.u32 s4, $0x3;
	s20 =	sshrl.u32 s1, $0x3;
	s23 =	sld [smem:$0x7F8]  }
.Ltmp0:
0x76: {  	v18 =	vor.u32 $0x110, v0;
	v19 =	vor.u32 $0x120, v0;
	v20 =	vor.u32 $0x130, v0;
	s24 =	sld [smem:$0x7F9];
	s31 =	sadd.s32 s31, s5;
	(pc) =	sbr.rel .LBB2_1-.Ltmp0, $4  }
0x77: {  	v21 =	vor.u32 $0x140, v0;
	v22 =	vor.u32 $0x150, v0;
	v23 =	vor.u32 $0x160, v0;
	s6 =	sshrl.u32 s21, $0x3;
	s9 =	sshrl.u32 s31, $0x3;
	s31 =	sld [smem:$0x7FD]  }
0x78: {  	v24 =	vor.u32 $0x170, v0;
	v25 =	vor.u32 $0x180, v0;
	v26 =	vor.u32 $0x190, v0;
	s21 =	simm.s32 $0x2780;
	[smem:$0x7F6] =	sst s6;
	s6 =	sshrl.u32 s22, $0x3  }
0x79: {  	v27 =	vor.u32 $0x1A0, v0;
	v28 =	vor.u32 $0x1B0, v0;
	v29 =	vor.u32 $0x1C0, v0;
	s22 =	simm.s32 $0x7680;
	s7 =	sshrl.u32 s23, $0x3;
	s23 =	simm.s32 $0x1  }
0x7a: {  	v30 =	vor.u32 $0x1D0, v0;
	v31 =	vor.u32 $0x1E0, v0;
	v32 =	vor.u32 $0x1F0, v0;
	s8 =	sshrl.u32 s24, $0x3;
	s24 =	simm.s32 $0x9E00;
	s18 =	sshrl.u32 s31, $0x3  }
.LBB2_10:
0x7b: {  	s1 =	simm.s32 $0x19E00  }
0x7c: {  	[spmem:s5] =	stream.indirect.scatter.add.f32 [tilespmem:s24], [sflag:$0x3], $0x80, s1, s26, $0xb8;
	[tilespmem:$0x1B000] =	vst v63  }
0x7d: {  	_ =	swait.ge [sflag:s28], $0x4000  }
0x7e: {  	[sflag:s28] =	ssyncset.done $0x0  }
0x7f: {  	s31 =	simm.s32 $0x19E80;
	s4 =	simm.s32 $0xDE00;
	[sflag:s28] =	ssyncadd.s32 $0xFFFFC000  }
0x80: {  	[spmem:s5] =	stream.indirect.scatter.add.f32 [tilespmem:s4], [sflag:$0x3], $0x80, s31, s26, $0xb8;
	[tilespmem:$0x1B000] =	vst v63  }
0x81: {  	_ =	swait.ge [sflag:s28], $0x4000  }
0x82: {  	[sflag:s28] =	ssyncset.done $0x0  }
0x83: {  	s30 =	simm.s32 $0x19F00;
	s31 =	simm.s32 $0x11E00;
	[sflag:s28] =	ssyncadd.s32 $0xFFFFC000  }
0x84: {  	[spmem:s5] =	stream.indirect.scatter.add.f32 [tilespmem:s31], [sflag:$0x3], $0x80, s30, s26, $0xb8;
	[tilespmem:$0x1B000] =	vst v63  }
0x85: {  	_ =	swait.ge [sflag:s28], $0x4000  }
0x86: {  	[sflag:s28] =	ssyncset.done $0x0  }
0x87: {  	s30 =	simm.s32 $0x19F80;
	s31 =	simm.s32 $0x15E00;
	[sflag:s28] =	ssyncadd.s32 $0xFFFFC000  }
0x88: {  	[spmem:s5] =	stream.indirect.scatter.add.f32 [tilespmem:s31], [sflag:$0x3], $0x80, s30, s26, $0xb8;
	[tilespmem:$0x1B000] =	vst v63  }
0x89: {  	_ =	swait.ge [sflag:s28], $0x4000  }
0x8a: {  	[sflag:s28] =	ssyncset.done $0x0  }
0x8b: {  	[sflag:s28] =	ssyncadd.s32 $0xFFFFC000  }
0x8c: {  	s30 =	stileid.u32;
	[bflag:$0x0] =	sbarrier.arrive $0xFFFF  }
0x8d: {  	s1 =	sshll.u32 s30, $0x6;
	s30 =	sld [smem:$0x7E0];
	_ =	sdelay $0x1  }
0x8e: {  	s1 =	sor.u32 $0x1C01, s1;
	s31 =	rddreg [dreg:$0x5]  }
0x8f: {  	[hbm:s31], [sflag:s1] =	dma.local [spmem:s30], $0x10  }
0x90: {  	s30 =	sld [smem:$0x7E1];
	_ =	sdelay $0x1  }
0x91: {  	s4 =	rddreg [dreg:$0x6]  }
0x92: {  	[hbm:s4], [sflag:s1] =	dma.local [spmem:s30], $0x10  }
0x93: {  	s30 =	sld [smem:$0x7E2];
	_ =	sdelay $0x1  }
0x94: {  	s4 =	rddreg [dreg:$0x7]  }
0x95: {  	[hbm:s4], [sflag:s1] =	dma.local [spmem:s30], $0x10  }
0x96: {  	s30 =	sld [smem:$0x7E3];
	_ =	sdelay $0x1  }
0x97: {  	s4 =	rddreg [dreg:$0x8]  }
0x98: {  	[hbm:s4], [sflag:s1] =	dma.local [spmem:s30], $0x10  }
0x99: {  	s30 =	sld [smem:$0x7E4];
	_ =	sdelay $0x1  }
0x9a: {  	s4 =	rddreg [dreg:$0x9]  }
0x9b: {  	[hbm:s4], [sflag:s1] =	dma.local [spmem:s30], $0x10  }
0x9c: {  	s30 =	sld [smem:$0x7E5];
	_ =	sdelay $0x1  }
0x9d: {  	s4 =	rddreg [dreg:$0xa]  }
0x9e: {  	[hbm:s4], [sflag:s1] =	dma.local [spmem:s30], $0x10  }
0x9f: {  	s30 =	sld [smem:$0x7E6];
	_ =	sdelay $0x1  }
0xa0: {  	s4 =	rddreg [dreg:$0xb]  }
0xa1: {  	[hbm:s4], [sflag:s1] =	dma.local [spmem:s30], $0x10  }
0xa2: {  	s30 =	sld [smem:$0x7E7];
	_ =	sdelay $0x1  }
0xa3: {  	s4 =	rddreg [dreg:$0xc]  }
0xa4: {  	[hbm:s4], [sflag:s1] =	dma.local [spmem:s30], $0x10  }
0xa5: {  	s30 =	sld [smem:$0x7E8];
	_ =	sdelay $0x1  }
0xa6: {  	s4 =	rddreg [dreg:$0xd]  }
0xa7: {  	[hbm:s4], [sflag:s1] =	dma.local [spmem:s30], $0x10  }
0xa8: {  	s30 =	sld [smem:$0x7E9];
	_ =	sdelay $0x1  }
0xa9: {  	s4 =	rddreg [dreg:$0xe]  }
0xaa: {  	[hbm:s4], [sflag:s1] =	dma.local [spmem:s30], $0x10  }
0xab: {  	s30 =	sld [smem:$0x7EA];
	_ =	sdelay $0x1  }
0xac: {  	s4 =	rddreg [dreg:$0xf]  }
0xad: {  	[hbm:s4], [sflag:s1] =	dma.local [spmem:s30], $0x10  }
0xae: {  	s30 =	sld [smem:$0x7EB];
	_ =	sdelay $0x1  }
0xaf: {  	s4 =	rddreg [dreg:$0x10]  }
0xb0: {  	[hbm:s4], [sflag:s1] =	dma.local [spmem:s30], $0x10  }
0xb1: {  	s30 =	sld [smem:$0x7EC];
	_ =	sdelay $0x1  }
0xb2: {  	s4 =	rddreg [dreg:$0x11]  }
0xb3: {  	[hbm:s4], [sflag:s1] =	dma.local [spmem:s30], $0x10  }
0xb4: {  	s30 =	sld [smem:$0x7ED];
	_ =	sdelay $0x1  }
0xb5: {  	s4 =	rddreg [dreg:$0x12]  }
0xb6: {  	[hbm:s4], [sflag:s1] =	dma.local [spmem:s30], $0x10  }
0xb7: {  	s30 =	sld [smem:$0x7EE];
	_ =	sdelay $0x1  }
0xb8: {  	s4 =	rddreg [dreg:$0x13]  }
0xb9: {  	[hbm:s4], [sflag:s1] =	dma.local [spmem:s30], $0x10  }
0xba: {  	s30 =	sld [smem:$0x7F0];
	_ =	sdelay $0x1  }
0xbb: {  	s4 =	rddreg [dreg:$0x14]  }
0xbc: {  	[hbm:s4], [sflag:s1] =	dma.local [spmem:s30], $0x10  }
0xbd: {  	s30 =	sld [smem:$0x7F2];
	_ =	sdelay $0x1  }
0xbe: {  	s4 =	rddreg [dreg:$0x15]  }
0xbf: {  	[hbm:s4], [sflag:s1] =	dma.local [spmem:s30], $0x10  }
0xc0: {  	s30 =	sld [smem:$0x7F4];
	_ =	sdelay $0x1  }
0xc1: {  	s4 =	rddreg [dreg:$0x16]  }
0xc2: {  	[hbm:s4], [sflag:s1] =	dma.local [spmem:s30], $0x10  }
0xc3: {  	s30 =	sld [smem:$0x7F6];
	_ =	sdelay $0x1  }
0xc4: {  	s4 =	rddreg [dreg:$0x17]  }
0xc5: {  	[hbm:s4], [sflag:s1] =	dma.local [spmem:s30], $0x10  }
0xc6: {  	s4 =	rddreg [dreg:$0x18]  }
0xc7: {  	[hbm:s4], [sflag:s1] =	dma.local [spmem:s6], $0x10  }
0xc8: {  	s4 =	rddreg [dreg:$0x19]  }
0xc9: {  	[hbm:s4], [sflag:s1] =	dma.local [spmem:s7], $0x10  }
0xca: {  	s4 =	rddreg [dreg:$0x1a]  }
0xcb: {  	[hbm:s4], [sflag:s1] =	dma.local [spmem:s8], $0x10  }
0xcc: {  	s4 =	rddreg [dreg:$0x1b]  }
0xcd: {  	[hbm:s4], [sflag:s1] =	dma.local [spmem:s9], $0x10  }
0xce: {  	s4 =	rddreg [dreg:$0x1c]  }
0xcf: {  	[hbm:s4], [sflag:s1] =	dma.local [spmem:s10], $0x10  }
0xd0: {  	s4 =	rddreg [dreg:$0x1d]  }
0xd1: {  	[hbm:s4], [sflag:s1] =	dma.local [spmem:s13], $0x10  }
0xd2: {  	s4 =	rddreg [dreg:$0x1e]  }
0xd3: {  	[hbm:s4], [sflag:s1] =	dma.local [spmem:s14], $0x10  }
0xd4: {  	s4 =	rddreg [dreg:$0x1f]  }
0xd5: {  	[hbm:s4], [sflag:s1] =	dma.local [spmem:s15], $0x10  }
0xd6: {  	s4 =	sld [smem:$0x7C7];
	_ =	sdelay $0x2  }
0xd7: {  	[hbm:s4], [sflag:s1] =	dma.local [spmem:s16], $0x10  }
0xd8: {  	s4 =	sld [smem:$0x7C8];
	_ =	sdelay $0x2  }
0xd9: {  	[hbm:s4], [sflag:s1] =	dma.local [spmem:s17], $0x10  }
0xda: {  	s4 =	sld [smem:$0x7C9];
	_ =	sdelay $0x2  }
0xdb: {  	[hbm:s4], [sflag:s1] =	dma.local [spmem:s18], $0x10  }
0xdc: {  	s4 =	sld [smem:$0x7CA];
	_ =	sdelay $0x2  }
0xdd: {  	[hbm:s4], [sflag:s1] =	dma.local [spmem:s19], $0x10  }
0xde: {  	s4 =	sld [smem:$0x7CB];
	_ =	sdelay $0x2  }
0xdf: {  	[hbm:s4], [sflag:s1] =	dma.local [spmem:s20], $0x10  }
0xe0: {  	_ =	swait.ge [sflag:s23], $0x10  }
0xe1: {  	[sflag:s23] =	ssyncset.done $0x0  }
0xe2: {  	[sflag:s23] =	ssyncadd.s32 $0xFFFFFFF0  }
0xe3: {  	_ =	swait.ge [sflag:s23], $0x10  }
0xe4: {  	[sflag:s23] =	ssyncset.done $0x0  }
0xe5: {  	[sflag:s23] =	ssyncadd.s32 $0xFFFFFFF0  }
0xe6: {  	_ =	swait.ge [sflag:s23], $0x10  }
0xe7: {  	[sflag:s23] =	ssyncset.done $0x0  }
0xe8: {  	[sflag:s23] =	ssyncadd.s32 $0xFFFFFFF0  }
0xe9: {  	_ =	swait.ge [sflag:s23], $0x10  }
0xea: {  	[sflag:s23] =	ssyncset.done $0x0  }
0xeb: {  	[sflag:s23] =	ssyncadd.s32 $0xFFFFFFF0  }
0xec: {  	_ =	swait.ge [sflag:s23], $0x10  }
0xed: {  	[sflag:s23] =	ssyncset.done $0x0  }
0xee: {  	[sflag:s23] =	ssyncadd.s32 $0xFFFFFFF0  }
0xef: {  	_ =	swait.ge [sflag:s23], $0x10  }
0xf0: {  	[sflag:s23] =	ssyncset.done $0x0  }
0xf1: {  	[sflag:s23] =	ssyncadd.s32 $0xFFFFFFF0  }
0xf2: {  	_ =	swait.ge [sflag:s23], $0x10  }
0xf3: {  	[sflag:s23] =	ssyncset.done $0x0  }
0xf4: {  	[sflag:s23] =	ssyncadd.s32 $0xFFFFFFF0  }
0xf5: {  	_ =	swait.ge [sflag:s23], $0x10  }
0xf6: {  	[sflag:s23] =	ssyncset.done $0x0  }
0xf7: {  	[sflag:s23] =	ssyncadd.s32 $0xFFFFFFF0  }
0xf8: {  	_ =	swait.ge [sflag:s23], $0x10  }
0xf9: {  	[sflag:s23] =	ssyncset.done $0x0  }
0xfa: {  	[sflag:s23] =	ssyncadd.s32 $0xFFFFFFF0  }
0xfb: {  	_ =	swait.ge [sflag:s23], $0x10  }
0xfc: {  	[sflag:s23] =	ssyncset.done $0x0  }
0xfd: {  	[sflag:s23] =	ssyncadd.s32 $0xFFFFFFF0  }
0xfe: {  	_ =	swait.ge [sflag:s23], $0x10  }
0xff: {  	[sflag:s23] =	ssyncset.done $0x0  }
0x100: {  	[sflag:s23] =	ssyncadd.s32 $0xFFFFFFF0  }
0x101: {  	_ =	swait.ge [sflag:s23], $0x10  }
0x102: {  	[sflag:s23] =	ssyncset.done $0x0  }
0x103: {  	[sflag:s23] =	ssyncadd.s32 $0xFFFFFFF0  }
0x104: {  	_ =	swait.ge [sflag:s23], $0x10  }
0x105: {  	[sflag:s23] =	ssyncset.done $0x0  }
0x106: {  	[sflag:s23] =	ssyncadd.s32 $0xFFFFFFF0  }
0x107: {  	_ =	swait.ge [sflag:s23], $0x10  }
0x108: {  	[sflag:s23] =	ssyncset.done $0x0  }
0x109: {  	[sflag:s23] =	ssyncadd.s32 $0xFFFFFFF0  }
0x10a: {  	_ =	swait.ge [sflag:s23], $0x10  }
0x10b: {  	[sflag:s23] =	ssyncset.done $0x0  }
0x10c: {  	[sflag:s23] =	ssyncadd.s32 $0xFFFFFFF0  }
0x10d: {  	_ =	swait.ge [sflag:s23], $0x10  }
0x10e: {  	[sflag:s23] =	ssyncset.done $0x0  }
0x10f: {  	[sflag:s23] =	ssyncadd.s32 $0xFFFFFFF0  }
0x110: {  	_ =	swait.ge [sflag:s23], $0x10  }
0x111: {  	[sflag:s23] =	ssyncset.done $0x0  }
0x112: {  	[sflag:s23] =	ssyncadd.s32 $0xFFFFFFF0  }
0x113: {  	_ =	swait.ge [sflag:s23], $0x10  }
0x114: {  	[sflag:s23] =	ssyncset.done $0x0  }
0x115: {  	[sflag:s23] =	ssyncadd.s32 $0xFFFFFFF0  }
0x116: {  	_ =	swait.ge [sflag:s23], $0x10  }
0x117: {  	[sflag:s23] =	ssyncset.done $0x0  }
0x118: {  	[sflag:s23] =	ssyncadd.s32 $0xFFFFFFF0  }
0x119: {  	_ =	swait.ge [sflag:s23], $0x10  }
0x11a: {  	[sflag:s23] =	ssyncset.done $0x0  }
0x11b: {  	[sflag:s23] =	ssyncadd.s32 $0xFFFFFFF0  }
0x11c: {  	_ =	swait.ge [sflag:s23], $0x10  }
0x11d: {  	[sflag:s23] =	ssyncset.done $0x0  }
0x11e: {  	[sflag:s23] =	ssyncadd.s32 $0xFFFFFFF0  }
0x11f: {  	_ =	swait.ge [sflag:s23], $0x10  }
0x120: {  	[sflag:s23] =	ssyncset.done $0x0  }
0x121: {  	[sflag:s23] =	ssyncadd.s32 $0xFFFFFFF0  }
0x122: {  	_ =	swait.ge [sflag:s23], $0x10  }
0x123: {  	[sflag:s23] =	ssyncset.done $0x0  }
0x124: {  	[sflag:s23] =	ssyncadd.s32 $0xFFFFFFF0  }
0x125: {  	_ =	swait.ge [sflag:s23], $0x10  }
0x126: {  	[sflag:s23] =	ssyncset.done $0x0  }
0x127: {  	[sflag:s23] =	ssyncadd.s32 $0xFFFFFFF0  }
0x128: {  	_ =	swait.ge [sflag:s23], $0x10  }
0x129: {  	[sflag:s23] =	ssyncset.done $0x0  }
0x12a: {  	[sflag:s23] =	ssyncadd.s32 $0xFFFFFFF0  }
0x12b: {  	_ =	swait.ge [sflag:s23], $0x10  }
0x12c: {  	[sflag:s23] =	ssyncset.done $0x0  }
0x12d: {  	[sflag:s23] =	ssyncadd.s32 $0xFFFFFFF0  }
0x12e: {  	_ =	swait.ge [sflag:s23], $0x10  }
0x12f: {  	[sflag:s23] =	ssyncset.done $0x0  }
0x130: {  	[sflag:s23] =	ssyncadd.s32 $0xFFFFFFF0  }
0x131: {  	_ =	swait.ge [sflag:s23], $0x10  }
0x132: {  	[sflag:s23] =	ssyncset.done $0x0  }
0x133: {  	[sflag:s23] =	ssyncadd.s32 $0xFFFFFFF0  }
0x134: {  	_ =	swait.ge [sflag:s23], $0x10  }
0x135: {  	[sflag:s23] =	ssyncset.done $0x0  }
0x136: {  	[sflag:s23] =	ssyncadd.s32 $0xFFFFFFF0  }
0x137: {  	_ =	swait.ge [sflag:s23], $0x10  }
0x138: {  	[sflag:s23] =	ssyncset.done $0x0  }
0x139: {  	[sflag:s23] =	ssyncadd.s32 $0xFFFFFFF0  }
0x13a: {  	_ =	swait.ge [sflag:s23], $0x10  }
0x13b: {  	[sflag:s23] =	ssyncset.done $0x0  }
0x13c: {  	[sflag:s23] =	ssyncadd.s32 $0xFFFFFFF0  }
0x13d: {  	_ =	swait.ge [sflag:s23], $0x10  }
0x13e: {  	s31 =	sld [smem:$0x7DF];
	_ =	sdelay $0x1  }
0x13f: {  	s29 =	sadd.s32 $0x1, s29  }
0x140: {  	p1 =	sne.s32 s29, s31  }
.Ltmp1:
0x141: {  	_ = 	snop;
	(pc) =	sbr.rel @!p1 .LBB2_11-.Ltmp1, $3  }
0x142: {  	_ =	sdelay $0x1  }
0x143: {  	[sflag:s23] =	ssyncset.done $0x0  }
0x144: {  	[sflag:s23] =	ssyncadd.s32 $0xFFFFFFF0  }
.LBB2_1:
0x145: {  	s30 =	simm.s32 $0x9F00  }
0x146: {  	[tilespmem:s30+$0xFFFFFF00] =	vst v1  }
0x147: {  	[tilespmem:s30+$0xF0] =	vst v1  }
0x148: {  	[tilespmem:s30+$0xE0] =	vst v1  }
0x149: {  	[tilespmem:s30+$0xD0] =	vst v1  }
0x14a: {  	[tilespmem:s30+$0xC0] =	vst v1  }
0x14b: {  	[tilespmem:s30+$0xB0] =	vst v1  }
0x14c: {  	[tilespmem:s30+$0xA0] =	vst v1  }
0x14d: {  	[tilespmem:s30+$0x90] =	vst v1  }
0x14e: {  	[tilespmem:s30+$0x80] =	vst v1  }
0x14f: {  	[tilespmem:s30+$0x70] =	vst v1  }
0x150: {  	[tilespmem:s30+$0x60] =	vst v1  }
0x151: {  	[tilespmem:s30+$0x50] =	vst v1  }
0x152: {  	[tilespmem:s30+$0x40] =	vst v1  }
0x153: {  	[tilespmem:s30+$0x30] =	vst v1  }
0x154: {  	[tilespmem:s30+$0x20] =	vst v1  }
0x155: {  	[tilespmem:s30+$0x10] =	vst v1  }
0x156: {  	[tilespmem:s30+$0x0] =	vst v1  }
0x157: {  	[tilespmem:s30+$0xFFFFFFF0] =	vst v1  }
0x158: {  	[tilespmem:s30+$0xFFFFFFE0] =	vst v1  }
0x159: {  	[tilespmem:s30+$0xFFFFFFD0] =	vst v1  }
0x15a: {  	[tilespmem:s30+$0xFFFFFFC0] =	vst v1  }
0x15b: {  	[tilespmem:s30+$0xFFFFFFB0] =	vst v1  }
0x15c: {  	[tilespmem:s30+$0xFFFFFFA0] =	vst v1  }
0x15d: {  	[tilespmem:s30+$0xFFFFFF90] =	vst v1  }
0x15e: {  	[tilespmem:s30+$0xFFFFFF80] =	vst v1  }
0x15f: {  	[tilespmem:s30+$0xFFFFFF70] =	vst v1  }
0x160: {  	[tilespmem:s30+$0xFFFFFF60] =	vst v1  }
0x161: {  	[tilespmem:s30+$0xFFFFFF50] =	vst v1  }
0x162: {  	[tilespmem:s30+$0xFFFFFF40] =	vst v1  }
0x163: {  	[tilespmem:s30+$0xFFFFFF30] =	vst v1  }
0x164: {  	s1 =	simm.s32 $0x0;
	[tilespmem:s30+$0xFFFFFF20] =	vst v1  }
.LBB2_2:
0x165: {  	s1 =	sadd.s32 $0x4, s1;
	[tilespmem:s30+$0xFFFFFF10] =	vst v1;
	s30 =	sadd.s32 $0x200, s30  }
0x166: {  	[tilespmem:s30+$0xFFFFFF00] =	vst v1;
	p1 =	slt.u32 s1, $0x1FC  }
0x167: {  	[tilespmem:s30+$0xF0] =	vst v1  }
0x168: {  	[tilespmem:s30+$0xE0] =	vst v1  }
0x169: {  	[tilespmem:s30+$0xD0] =	vst v1  }
0x16a: {  	[tilespmem:s30+$0xC0] =	vst v1  }
0x16b: {  	[tilespmem:s30+$0xB0] =	vst v1  }
0x16c: {  	[tilespmem:s30+$0xA0] =	vst v1  }
0x16d: {  	[tilespmem:s30+$0x90] =	vst v1  }
0x16e: {  	[tilespmem:s30+$0x80] =	vst v1  }
0x16f: {  	[tilespmem:s30+$0x70] =	vst v1  }
0x170: {  	[tilespmem:s30+$0x60] =	vst v1  }
0x171: {  	[tilespmem:s30+$0x50] =	vst v1  }
0x172: {  	[tilespmem:s30+$0x40] =	vst v1  }
0x173: {  	[tilespmem:s30+$0x30] =	vst v1  }
0x174: {  	[tilespmem:s30+$0x20] =	vst v1  }
0x175: {  	[tilespmem:s30+$0x10] =	vst v1  }
0x176: {  	[tilespmem:s30+$0x0] =	vst v1  }
0x177: {  	[tilespmem:s30+$0xFFFFFFF0] =	vst v1  }
0x178: {  	[tilespmem:s30+$0xFFFFFFE0] =	vst v1  }
0x179: {  	[tilespmem:s30+$0xFFFFFFD0] =	vst v1  }
0x17a: {  	[tilespmem:s30+$0xFFFFFFC0] =	vst v1  }
0x17b: {  	[tilespmem:s30+$0xFFFFFFB0] =	vst v1  }
0x17c: {  	[tilespmem:s30+$0xFFFFFFA0] =	vst v1  }
0x17d: {  	[tilespmem:s30+$0xFFFFFF90] =	vst v1  }
0x17e: {  	[tilespmem:s30+$0xFFFFFF80] =	vst v1  }
0x17f: {  	[tilespmem:s30+$0xFFFFFF70] =	vst v1  }
.Ltmp2:
0x180: {  	[tilespmem:s30+$0xFFFFFF60] =	vst v1;
	(pc) =	sbr.rel @p1 .LBB2_2-.Ltmp2, $4  }
0x181: {  	[tilespmem:s30+$0xFFFFFF50] =	vst v1  }
0x182: {  	[tilespmem:s30+$0xFFFFFF40] =	vst v1  }
0x183: {  	[tilespmem:s30+$0xFFFFFF30] =	vst v1  }
0x184: {  	[tilespmem:s30+$0xFFFFFF20] =	vst v1  }
0x185: {  	[tilespmem:s30+$0xFFFFFF10] =	vst v1  }
0x186: {  	[tilespmem:$0x19E00] =	vst v0  }
0x187: {  	[tilespmem:$0x19E10] =	vst v2  }
0x188: {  	[tilespmem:$0x19E20] =	vst v3  }
0x189: {  	[tilespmem:$0x19E30] =	vst v4  }
0x18a: {  	[tilespmem:$0x19E40] =	vst v5  }
0x18b: {  	[tilespmem:$0x19E50] =	vst v6  }
0x18c: {  	[tilespmem:$0x19E60] =	vst v7  }
0x18d: {  	[tilespmem:$0x19E70] =	vst v8  }
0x18e: {  	[tilespmem:$0x19E80] =	vst v9  }
0x18f: {  	[tilespmem:$0x19E90] =	vst v10  }
0x190: {  	[tilespmem:$0x19EA0] =	vst v11  }
0x191: {  	[tilespmem:$0x19EB0] =	vst v12  }
0x192: {  	[tilespmem:$0x19EC0] =	vst v13  }
0x193: {  	[tilespmem:$0x19ED0] =	vst v14  }
0x194: {  	[tilespmem:$0x19EE0] =	vst v15  }
0x195: {  	[tilespmem:$0x19EF0] =	vst v16  }
0x196: {  	[tilespmem:$0x19F00] =	vst v17  }
0x197: {  	[tilespmem:$0x19F10] =	vst v18  }
0x198: {  	[tilespmem:$0x19F20] =	vst v19  }
0x199: {  	[tilespmem:$0x19F30] =	vst v20  }
0x19a: {  	[tilespmem:$0x19F40] =	vst v21  }
0x19b: {  	[tilespmem:$0x19F50] =	vst v22  }
0x19c: {  	[tilespmem:$0x19F60] =	vst v23  }
0x19d: {  	[tilespmem:$0x19F70] =	vst v24  }
0x19e: {  	[tilespmem:$0x19F80] =	vst v25  }
0x19f: {  	[tilespmem:$0x19F90] =	vst v26  }
0x1a0: {  	[tilespmem:$0x19FA0] =	vst v27  }
0x1a1: {  	[tilespmem:$0x19FB0] =	vst v28  }
0x1a2: {  	[tilespmem:$0x19FC0] =	vst v29  }
0x1a3: {  	[tilespmem:$0x19FD0] =	vst v30  }
0x1a4: {  	[tilespmem:$0x19FE0] =	vst v31  }
0x1a5: {  	s1 =	simm.s32 @!p0 $0x9E00;
	[tilespmem:$0x19FF0] =	vst v32  }
0x1a6: {  	[spmem:s5] =	stream.linear.scatter @!p0 [tilespmem:s1], [sflag:$0x3], $0x10000, $0x38;
	[tilespmem:$0x1B000] =	vst v63  }
0x1a7: {  	s1 =	simm.s32 @!p0 $0x3  }
0x1a8: {  	_ =	swait.ge @!p0 [sflag:s1], $0x10000  }
0x1a9: {  	[sflag:s1] =	ssyncset.done @!p0 $0x0  }
0x1aa: {  	[sflag:s1] =	ssyncadd.s32 @!p0 $0xFFFF0000  }
0x1ab: {  	[bflag:$0x0] =	sbarrier.arrive $0xFFFF  }
0x1ac: {  	s4 =	sld [smem:$0x7CC];
	_ =	sdelay $0x1  }
0x1ad: {  	s30 =	simm.s32 $0x0;
	s31 =	sld [smem:$0x7CD]  }
0x1ae: {  	[tilespmem:s30], [sflag:$0x1] =	stream.linear.gather [hbm4b:s4+s30], $0x2710, $0x38;
	[tilespmem:$0x1B000] =	vst v63  }
0x1af: {  	s4 =	simm.s32 $0x4F00  }
0x1b0: {  	[tilespmem:s4], [sflag:$0x1] =	stream.linear.gather [hbm4b:s31+s30], $0x2710, $0x38;
	[tilespmem:$0x1B000] =	vst v63  }
0x1b1: {  	s4 =	sld [smem:$0x7CE];
	_ =	sdelay $0x1  }
0x1b2: {  	s31 =	sld [smem:$0x7CF]  }
0x1b3: {  	[tilespmem:s21], [sflag:$0x2] =	stream.linear.gather [hbm4b:s4+s30], $0x2710, $0x38;
	[tilespmem:$0x1B000] =	vst v63  }
0x1b4: {  	_ = 	snop  }
0x1b5: {  	[tilespmem:s22], [sflag:$0x2] =	stream.linear.gather [hbm4b:s31+s30], $0x2710, $0x38;
	[tilespmem:$0x1B000] =	vst v63  }
.LBB2_4:
0x1b6: {  	_ =	swait.ge [sflag:s23], $0x2710  }
0x1b7: {  	[sflag:s23] =	ssyncset.done $0x0  }
0x1b8: {  	[sflag:s23] =	ssyncadd.s32 $0xFFFFD8F0  }
0x1b9: {  	_ =	swait.ge [sflag:s23], $0x2710  }
0x1ba: {  	[sflag:s23] =	ssyncset.done $0x0  }
0x1bb: {  	s1 =	simm.s32 $0x4F40;
	[sflag:s23] =	ssyncadd.s32 $0xFFFFD8F0  }
0x1bc: {  	v33 =	vld [tilespmem:s1+$0x30]  }
0x1bd: {  	v34 =	vld [tilespmem:s1+$0xFFFFFFC0]  }
0x1be: {  	v35 =	vld [tilespmem:s1+$0xFFFFFFD0]  }
0x1bf: {  	v36 =	vld [tilespmem:s1+$0xFFFFFFE0]  }
0x1c0: {  	v37 =	vld [tilespmem:s1+$0xFFFFFFF0]  }
0x1c1: {  	s31 =	simm.s32 $0x40;
	v38 =	vld [tilespmem:s1+$0x0]  }
0x1c2: {  	v39 =	vld [tilespmem:s31+$0x30]  }
0x1c3: {  	v40 =	vld [tilespmem:s1+$0x10]  }
0x1c4: {  	v41 =	vld [tilespmem:s1+$0x20]  }
0x1c5: {  	v42 =	vld [tilespmem:s31+$0xFFFFFFD0]  }
0x1c6: {  	v43 =	vld [tilespmem:s31+$0xFFFFFFE0];
	v33 =	vshll.u32 v33, $0x4  }
0x1c7: {  	v61 =	vld [tilespmem:s31+$0xFFFFFFF0];
	v35 =	vshll.u32 v35, $0x4;
	v33 =	vor.u32 v0, v33  }
0x1c8: {  	v62 =	vld [tilespmem:s31+$0x0];
	v60 =	vshll.u32 v36, $0x4;
	v59 =	vor.u32 v0, v35  }
0x1c9: {  	v44 =	vld [tilespmem:s31+$0x10];
	v37 =	vshll.u32 v37, $0x4;
	v35 =	vor.u32 v0, v60  }
0x1ca: {  	v45 =	vld [tilespmem:s31+$0x20];
	v38 =	vshll.u32 v38, $0x4;
	v37 =	vor.u32 v0, v37  }
0x1cb: {  	v46 =	vld [tilespmem:s31+$0xFFFFFFC0];
	v34 =	vshll.u32 v34, $0x4;
	v38 =	vor.u32 v0, v38  }
0x1cc: {  	v40 =	vshll.u32 v40, $0x4;
	v34 =	vor.u32 v0, v34;
	[tilespmem:v33+s24+$0x0] =	vst.idx.add.f32.msk $0xffff, v39  }
0x1cd: {  	v41 =	vshll.u32 v41, $0x4;
	v40 =	vor.u32 v0, v40;
	[tilespmem:v59+s24+$0x0] =	vst.idx.add.f32.msk $0xffff, v42  }
0x1ce: {  	v63 =	vor.u32 v0, v41;
	[tilespmem:v35+s24+$0x0] =	vst.idx.add.f32.msk $0xffff, v43  }
0x1cf: {  	[tilespmem:v37+s24+$0x0] =	vst.idx.add.f32.msk $0xffff, v61  }
0x1d0: {  	[tilespmem:v38+s24+$0x0] =	vst.idx.add.f32.msk $0xffff, v62  }
0x1d1: {  	[tilespmem:v34+s24+$0x0] =	vst.idx.add.f32.msk $0xffff, v46  }
0x1d2: {  	[tilespmem:v40+s24+$0x0] =	vst.idx.add.f32.msk $0xffff, v44  }
0x1d3: {  	s4 =	simm.s32 $0x4FC0;
	s1 =	simm.s32 $0x0;
	[tilespmem:v63+s24+$0x0] =	vst.idx.add.f32.msk $0xffff, v45  }
.LBB2_5:
0x1d4: {  	v33 =	vld [tilespmem:s4+$0x30];
	s1 =	sadd.s32 $0x8, s1  }
0x1d5: {  	v34 =	vld [tilespmem:s4+$0xFFFFFFC0];
	p1 =	slt.u32 s1, $0x268  }
0x1d6: {  	v35 =	vld [tilespmem:s4+$0xFFFFFFD0]  }
0x1d7: {  	v36 =	vld [tilespmem:s4+$0xFFFFFFE0]  }
0x1d8: {  	v37 =	vld [tilespmem:s4+$0xFFFFFFF0]  }
0x1d9: {  	s31 =	sadd.s32 $0x80, s31;
	v38 =	vld [tilespmem:s4+$0x0];
	v33 =	vshll.u32 v33, $0x4  }
0x1da: {  	v34 =	vshll.u32 v34, $0x4;
	v39 =	vld [tilespmem:s31+$0x30];
	v33 =	vor.u32 v0, v33  }
0x1db: {  	v34 =	vor.u32 v0, v34;
	v35 =	vshll.u32 v35, $0x4;
	v40 =	vld [tilespmem:s4+$0x10]  }
0x1dc: {  	v35 =	vor.u32 v0, v35;
	v36 =	vshll.u32 v36, $0x4;
	v41 =	vld [tilespmem:s4+$0x20]  }
0x1dd: {  	v42 =	vld [tilespmem:s31+$0xFFFFFFD0];
	v36 =	vor.u32 v0, v36;
	v37 =	vshll.u32 v37, $0x4  }
0x1de: {  	v43 =	vld [tilespmem:s31+$0xFFFFFFE0];
	v37 =	vor.u32 v0, v37;
	v38 =	vshll.u32 v38, $0x4  }
0x1df: {  	v38 =	vor.u32 v0, v38;
	[tilespmem:v33+s24+$0x0] =	vst.idx.add.f32.msk $0xffff, v39  }
0x1e0: {  	v33 =	vld [tilespmem:s31+$0xFFFFFFF0];
	v39 =	vshll.u32 v40, $0x4  }
0x1e1: {  	v40 =	vld [tilespmem:s31+$0x0];
	v39 =	vor.u32 v0, v39;
	v41 =	vshll.u32 v41, $0x4  }
0x1e2: {  	v44 =	vld [tilespmem:s31+$0x10];
	v41 =	vor.u32 v0, v41  }
0x1e3: {  	v45 =	vld [tilespmem:s31+$0x20]  }
0x1e4: {  	v46 =	vld [tilespmem:s31+$0xFFFFFFC0]  }
0x1e5: {  	[tilespmem:v35+s24+$0x0] =	vst.idx.add.f32.msk $0xffff, v42  }
0x1e6: {  	[tilespmem:v36+s24+$0x0] =	vst.idx.add.f32.msk $0xffff, v43  }
.Ltmp3:
0x1e7: {  	[tilespmem:v37+s24+$0x0] =	vst.idx.add.f32.msk $0xffff, v33;
	(pc) =	sbr.rel @p1 .LBB2_5-.Ltmp3, $4  }
0x1e8: {  	[tilespmem:v38+s24+$0x0] =	vst.idx.add.f32.msk $0xffff, v40  }
0x1e9: {  	[tilespmem:v34+s24+$0x0] =	vst.idx.add.f32.msk $0xffff, v46  }
0x1ea: {  	[tilespmem:v39+s24+$0x0] =	vst.idx.add.f32.msk $0xffff, v44  }
0x1eb: {  	s4 =	sadd.s32 $0x80, s4;
	[tilespmem:v41+s24+$0x0] =	vst.idx.add.f32.msk $0xffff, v45  }
0x1ec: {  	v33 =	vld [tilespmem:$0x7600];
	_ =	sdelay $0x4  }
0x1ed: {  	v33 =	vshll.u32 v33, $0x4  }
0x1ee: {  	v34 =	vld [tilespmem:$0x2700];
	p1 =	seq.s32 s30, $0x9;
	v33 =	vor.u32 v0, v33  }
0x1ef: {  	s1 =	smul.u32 @!p1 $0x4E20, s30;
	_ =	sdelay $0x1  }
0x1f0: {  	s1 =	sadd.s32 @!p1 s1, s11  }
0x1f1: {  	s1 =	sshrl.u32 @!p1 s1, $0x3  }
0x1f2: {  	s31 =	simm.s32 @!p1 $0x0;
	s4 =	sadd.s32 @!p1 s2, s1;
	[tilespmem:v33+s24+$0x0] =	vst.idx.add.f32.msk $0xffff, v34  }
0x1f3: {  	[tilespmem:s31], [sflag:$0x1] =	stream.linear.gather @!p1 [hbm4b:s4+s31], $0x2710, $0x38;
	[tilespmem:$0x1B000] =	vst v63  }
0x1f4: {  	s1 =	sadd.s32 @!p1 s3, s1;
	s4 =	simm.s32 @!p1 $0x4F00  }
0x1f5: {  	[tilespmem:s4], [sflag:$0x1] =	stream.linear.gather @!p1 [hbm4b:s1+s31], $0x2710, $0x38;
	[tilespmem:$0x1B000] =	vst v63  }
0x1f6: {  	_ =	swait.ge [sflag:s25], $0x2710  }
0x1f7: {  	[sflag:s25] =	ssyncset.done $0x0  }
0x1f8: {  	[sflag:s25] =	ssyncadd.s32 $0xFFFFD8F0  }
0x1f9: {  	_ =	swait.ge [sflag:s25], $0x2710  }
0x1fa: {  	[sflag:s25] =	ssyncset.done $0x0  }
0x1fb: {  	s4 =	simm.s32 $0x76C0;
	[sflag:s25] =	ssyncadd.s32 $0xFFFFD8F0  }
0x1fc: {  	v57 =	vld [tilespmem:s4+$0x30]  }
0x1fd: {  	v58 =	vld [tilespmem:s4+$0xFFFFFFC0]  }
0x1fe: {  	v35 =	vld [tilespmem:s4+$0xFFFFFFD0]  }
0x1ff: {  	v36 =	vld [tilespmem:s4+$0xFFFFFFE0]  }
0x200: {  	v37 =	vld [tilespmem:s4+$0xFFFFFFF0]  }
0x201: {  	s31 =	simm.s32 $0x27C0;
	v38 =	vld [tilespmem:s4+$0x0]  }
0x202: {  	v39 =	vld [tilespmem:s31+$0x30]  }
0x203: {  	v40 =	vld [tilespmem:s4+$0x10]  }
0x204: {  	v41 =	vld [tilespmem:s4+$0x20]  }
0x205: {  	v42 =	vld [tilespmem:s31+$0xFFFFFFD0]  }
0x206: {  	v43 =	vld [tilespmem:s31+$0xFFFFFFE0];
	v33 =	vshll.u32 v57, $0x4  }
0x207: {  	v61 =	vld [tilespmem:s31+$0xFFFFFFF0];
	v35 =	vshll.u32 v35, $0x4;
	v33 =	vor.u32 v0, v33  }
0x208: {  	v62 =	vld [tilespmem:s31+$0x0];
	v60 =	vshll.u32 v36, $0x4;
	v59 =	vor.u32 v0, v35  }
0x209: {  	v44 =	vld [tilespmem:s31+$0x10];
	v37 =	vshll.u32 v37, $0x4;
	v35 =	vor.u32 v0, v60  }
0x20a: {  	v45 =	vld [tilespmem:s31+$0x20];
	v38 =	vshll.u32 v38, $0x4;
	v37 =	vor.u32 v0, v37  }
0x20b: {  	v46 =	vld [tilespmem:s31+$0xFFFFFFC0];
	v34 =	vshll.u32 v58, $0x4;
	v38 =	vor.u32 v0, v38  }
0x20c: {  	v40 =	vshll.u32 v40, $0x4;
	v34 =	vor.u32 v0, v34;
	[tilespmem:v33+s24+$0x0] =	vst.idx.add.f32.msk $0xffff, v39  }
0x20d: {  	v41 =	vshll.u32 v41, $0x4;
	v40 =	vor.u32 v0, v40;
	[tilespmem:v59+s24+$0x0] =	vst.idx.add.f32.msk $0xffff, v42  }
0x20e: {  	v63 =	vor.u32 v0, v41;
	[tilespmem:v35+s24+$0x0] =	vst.idx.add.f32.msk $0xffff, v43  }
0x20f: {  	[tilespmem:v37+s24+$0x0] =	vst.idx.add.f32.msk $0xffff, v61  }
0x210: {  	[tilespmem:v38+s24+$0x0] =	vst.idx.add.f32.msk $0xffff, v62  }
0x211: {  	[tilespmem:v34+s24+$0x0] =	vst.idx.add.f32.msk $0xffff, v46  }
0x212: {  	[tilespmem:v40+s24+$0x0] =	vst.idx.add.f32.msk $0xffff, v44  }
0x213: {  	s1 =	simm.s32 $0x0;
	s4 =	simm.s32 $0x7740;
	[tilespmem:v63+s24+$0x0] =	vst.idx.add.f32.msk $0xffff, v45  }
.LBB2_7:
0x214: {  	v33 =	vld [tilespmem:s4+$0x30];
	s1 =	sadd.s32 $0x8, s1  }
0x215: {  	v34 =	vld [tilespmem:s4+$0xFFFFFFC0];
	p2 =	slt.u32 s1, $0x268  }
0x216: {  	v35 =	vld [tilespmem:s4+$0xFFFFFFD0]  }
0x217: {  	v36 =	vld [tilespmem:s4+$0xFFFFFFE0]  }
0x218: {  	v37 =	vld [tilespmem:s4+$0xFFFFFFF0]  }
0x219: {  	s31 =	sadd.s32 $0x80, s31;
	v38 =	vld [tilespmem:s4+$0x0];
	v33 =	vshll.u32 v33, $0x4  }
0x21a: {  	v34 =	vshll.u32 v34, $0x4;
	v39 =	vld [tilespmem:s31+$0x30];
	v33 =	vor.u32 v0, v33  }
0x21b: {  	v34 =	vor.u32 v0, v34;
	v35 =	vshll.u32 v35, $0x4;
	v40 =	vld [tilespmem:s4+$0x10]  }
0x21c: {  	v35 =	vor.u32 v0, v35;
	v36 =	vshll.u32 v36, $0x4;
	v41 =	vld [tilespmem:s4+$0x20]  }
0x21d: {  	v42 =	vld [tilespmem:s31+$0xFFFFFFD0];
	v36 =	vor.u32 v0, v36;
	v37 =	vshll.u32 v37, $0x4  }
0x21e: {  	v43 =	vld [tilespmem:s31+$0xFFFFFFE0];
	v37 =	vor.u32 v0, v37;
	v38 =	vshll.u32 v38, $0x4  }
0x21f: {  	v38 =	vor.u32 v0, v38;
	[tilespmem:v33+s24+$0x0] =	vst.idx.add.f32.msk $0xffff, v39  }
0x220: {  	v33 =	vld [tilespmem:s31+$0xFFFFFFF0];
	v39 =	vshll.u32 v40, $0x4  }
0x221: {  	v40 =	vld [tilespmem:s31+$0x0];
	v39 =	vor.u32 v0, v39;
	v41 =	vshll.u32 v41, $0x4  }
0x222: {  	v44 =	vld [tilespmem:s31+$0x10];
	v41 =	vor.u32 v0, v41  }
0x223: {  	v45 =	vld [tilespmem:s31+$0x20]  }
0x224: {  	v46 =	vld [tilespmem:s31+$0xFFFFFFC0]  }
0x225: {  	[tilespmem:v35+s24+$0x0] =	vst.idx.add.f32.msk $0xffff, v42  }
0x226: {  	[tilespmem:v36+s24+$0x0] =	vst.idx.add.f32.msk $0xffff, v43  }
.Ltmp4:
0x227: {  	[tilespmem:v37+s24+$0x0] =	vst.idx.add.f32.msk $0xffff, v33;
	(pc) =	sbr.rel @p2 .LBB2_7-.Ltmp4, $4  }
0x228: {  	[tilespmem:v38+s24+$0x0] =	vst.idx.add.f32.msk $0xffff, v40  }
0x229: {  	[tilespmem:v34+s24+$0x0] =	vst.idx.add.f32.msk $0xffff, v46  }
0x22a: {  	[tilespmem:v39+s24+$0x0] =	vst.idx.add.f32.msk $0xffff, v44  }
0x22b: {  	s4 =	sadd.s32 $0x80, s4;
	[tilespmem:v41+s24+$0x0] =	vst.idx.add.f32.msk $0xffff, v45  }
0x22c: {  	v33 =	vld [tilespmem:$0x9D80];
	_ =	sdelay $0x4  }
0x22d: {  	v33 =	vshll.u32 v33, $0x4  }
0x22e: {  	v34 =	vld [tilespmem:$0x4E80];
	v33 =	vor.u32 v0, v33  }
.Ltmp5:
0x22f: {  	_ = 	snop;
	(pc) =	sbr.rel @p1 .LBB2_10-.Ltmp5, $2  }
0x230: {  	_ =	sdelay $0x2  }
0x231: {  	[tilespmem:v33+s24+$0x0] =	vst.idx.add.f32.msk $0xffff, v34  }
0x232: {  	s1 =	smul.u32 $0x4E20, s30;
	_ =	sdelay $0x1  }
0x233: {  	s1 =	sadd.s32 s1, s12  }
.Ltmp6:
0x234: {  	s1 =	sshrl.u32 s1, $0x3;
	(pc) =	sbr.rel .LBB2_4-.Ltmp6, $4  }
0x235: {  	s4 =	sadd.s32 s2, s1  }
0x236: {  	[tilespmem:s21], [sflag:$0x2] =	stream.linear.gather [hbm4b:s4+s0], $0x2710, $0x38;
	[tilespmem:$0x1B000] =	vst v63  }
0x237: {  	s30 =	sadd.s32 $0x1, s30;
	s1 =	sadd.s32 s3, s1  }
0x238: {  	[tilespmem:s22], [sflag:$0x2] =	stream.linear.gather [hbm4b:s1+s0], $0x2710, $0x38;
	[tilespmem:$0x1B000] =	vst v63  }
.LBB2_11:
0x239: {  	_ =	sfence.sel $0x180000  }
0x23a: {  	[bflag:$0x0] =	sbarrier.arrive $0xFFFF  }
0x23b: {  	_ =	strace $0x90000047  }
0x23c: {  	[bflag:$0x2] =	sbarrier.arrive $0xFFFF  }
0x23d: {  	s0 =	rddreg [dreg:$0x4]  }
0x23e: {  	s0 =	sadd.s32 @!p0 $0x100000, s0  }
0x23f: {  	[sflag:s0] =	ssyncadd.tile.s32 @!p0 $0x1;
	_ =	shalt  }
.Lfunc_end2:
_tile_overlayer_lowered:
.L_overlay_start_2:
0x240: {  	(tag) =	ssettag $0x2  }
0x241: {  	s0 =	rddreg [dreg:$0x0];
	s2 =	stileid.u32  }
0x242: {  	s1 =	rddreg [dreg:$0x1];
	p0 =	sne.s32 s2, $0x0  }
0x243: {  	s3 =	rddreg [dreg:$0x2];
	[bflag:$0x3] =	sbarrier.arrive $0xFFFF;
	s2 =	simm.s32 @!p0 $0x1C03  }
0x244: {  	[timem:s3], [sflag:s2] =	dma.local @!p0 [hbm:s0], s1  }
0x245: {  	s0 =	simm.s32 @!p0 $0x3  }
0x246: {  	_ =	swait.ge @!p0 [sflag:s0], s1  }
0x247: {  	s1 =	ssub.s32 @!p0 $0x0, s1;
	[sflag:s0] =	ssyncset.done @!p0 $0x0  }
0x248: {  	[sflag:s0] =	ssyncadd.s32 @!p0 s1  }
0x249: {  	[bflag:$0x3] =	sbarrier.arrive $0xFFFF  }
0x24a: {  	_ =	shalt  }

</sc_bundles>
